<compile_context>
chip_gen: v7x
topology: tpu7x:2x2x1
jax: 0.10.2.dev20260603
libtpu: 0.0.44.dev20260713+nightly
codegen_flags: <defaults>
</compile_context>

<pallas_src>
import jax
import jax.numpy as jnp
from jax import lax
from jax.experimental import pallas as pl
from jax.experimental.pallas import tpu as pltpu
from jax.experimental.pallas import tpu_sc as plsc

N = 10000
E = 320000
D = 128
B = 64
NP = 10240
NC = 2
NS = 16
EPT = E // (NC * NS)
C = 80
RPT = NP // NS
_BN_EPS = 1e-5
_CP = pltpu.CompilerParams(vmem_limit_bytes=128 * 1024 * 1024)


def _split3(x):
    xh = x.astype(jnp.bfloat16)
    r = x - xh.astype(jnp.float32)
    xm = r.astype(jnp.bfloat16)
    xl = (r - xm.astype(jnp.float32)).astype(jnp.bfloat16)
    return xh, xm, xl


def _dot(p, q):
    return lax.dot_general(p, q, (((1,), (0,)), ((), ())),
                           preferred_element_type=jnp.float32)


def _dot6(x, y):
    xh, xm, xl = _split3(x)
    yh, ym, yl = _split3(y)
    return (_dot(xh, yh) + (_dot(xh, ym) + _dot(xm, yh))
            + (_dot(xh, yl) + _dot(xm, ym) + _dot(xl, yh)))


def _seg_sum_body(h_hbm, src_hbm, dst_hbm, zero_hbm, out_hbm,
                  acc, sidx, didx, rows, sem):
    c = lax.axis_index("c")
    s = lax.axis_index("s")
    pltpu.sync_copy(zero_hbm.at[pl.ds(s * RPT, RPT)],
                    acc.at[pl.ds(s * RPT, RPT)])
    plsc.subcore_barrier()
    base = (c * NS + s) * EPT

    def chunk(i, carry):
        off = base + i * C
        pltpu.sync_copy(src_hbm.at[pl.ds(off, C)], sidx)
        pltpu.sync_copy(dst_hbm.at[pl.ds(off, C)], didx)
        pltpu.async_copy(h_hbm.at[sidx], rows, sem).wait()
        pltpu.sync_copy(rows, acc.at[didx], add=True)
        return carry

    lax.fori_loop(0, EPT // C, chunk, 0)
    plsc.subcore_barrier()
    pltpu.sync_copy(acc.at[pl.ds(s * RPT, RPT)],
                    out_hbm.at[pl.ds(c * NP + s * RPT, RPT)])


def _seg_sum_sc(h, src, dst, zero):
    k = pl.kernel(
        _seg_sum_body,
        out_type=jax.ShapeDtypeStruct((NC * NP, D), jnp.float32),
        mesh=plsc.VectorSubcoreMesh(core_axis_name="c", subcore_axis_name="s",
                                    num_cores=NC, num_subcores=NS),
        scratch_types=[
            pltpu.VMEM_SHARED((NP, D), jnp.float32),
            pltpu.VMEM((C,), jnp.int32),
            pltpu.VMEM((C,), jnp.int32),
            pltpu.VMEM((C, D), jnp.float32),
            pltpu.SemaphoreType.DMA,
        ],
    )
    return k(h, src, dst, zero)


_CH = 1280
_NB = NP // _CH


def _mlp_body(pp_ref, h_ref, eps_ref, w1_ref, b1_ref, g1_ref, be1_ref,
              w2_ref, b2_ref, g_ref, be_ref, out_ref, z1s_ref):
    mask = (lax.broadcasted_iota(jnp.int32, (NP, 1), 0) < N).astype(jnp.float32)
    eps1 = 1.0 + eps_ref[0, 0]
    w1 = w1_ref[...]

    def c1(i, carry):
        sl = pl.ds(i * _CH, _CH)
        sl2 = pl.ds(NP + i * _CH, _CH)
        zc = eps1 * h_ref[sl, :] + (pp_ref[sl, :] + pp_ref[sl2, :])
        z1s_ref[sl, :] = _dot6(zc, w1) + b1_ref[...]
        return carry

    lax.fori_loop(0, _NB, c1, 0)
    z1 = z1s_ref[...] * mask
    m1 = jnp.sum(z1, axis=0, keepdims=True) / N
    d1 = (z1 - m1) * mask
    v1 = jnp.sum(d1 * d1, axis=0, keepdims=True) / N
    a1 = jnp.maximum(d1 / jnp.sqrt(v1 + _BN_EPS) * g1_ref[...] + be1_ref[...], 0.0)
    z1s_ref[...] = a1 * mask
    w2 = w2_ref[...]

    def c2(i, carry):
        sl = pl.ds(i * _CH, _CH)
        out_ref[sl, :] = _dot6(z1s_ref[sl, :], w2) + b2_ref[...]
        return carry

    lax.fori_loop(0, _NB, c2, 0)
    z2 = out_ref[...] * mask
    m2 = jnp.sum(z2, axis=0, keepdims=True) / N
    d2 = (z2 - m2) * mask
    v2 = jnp.sum(d2 * d2, axis=0, keepdims=True) / N
    a2 = jnp.maximum(d2 / jnp.sqrt(v2 + _BN_EPS) * g_ref[...] + be_ref[...], 0.0)
    out_ref[...] = a2 * mask


def _mlp_tc(pp, h, lp):
    return pl.pallas_call(
        _mlp_body,
        out_shape=jax.ShapeDtypeStruct((NP, D), jnp.float32),
        scratch_shapes=[pltpu.VMEM((NP, 2 * D), jnp.float32)],
        compiler_params=_CP,
    )(pp, h, lp['eps'].reshape(1, 1).astype(jnp.float32),
      lp['W1'], lp['b1'].reshape(1, 2 * D), lp['g1'].reshape(1, 2 * D),
      lp['be1'].reshape(1, 2 * D), lp['W2'], lp['b2'].reshape(1, D),
      lp['g'].reshape(1, D), lp['be'].reshape(1, D))


def _score_body(pp_ref, h_ref, wrel_ref, brel_ref, wroot_ref, out_ref):
    agg = pp_ref[:NP, :] + pp_ref[NP:, :]
    s = (_dot6(agg, wrel_ref[...]) + brel_ref[0, 0]
         + _dot6(h_ref[...], wroot_ref[...]))
    out_ref[...] = jnp.tanh(s)


def _score_tc(pp, h, sag):
    return pl.pallas_call(
        _score_body,
        out_shape=jax.ShapeDtypeStruct((NP, 1), jnp.float32),
        compiler_params=_CP,
    )(pp, h, sag['Wrel'], sag['brel'].reshape(1, 1), sag['Wroot'])


def _final_body(score_ref, score80_ref, batch_ref, batch80_ref, h_ref,
                w1_ref, b1_ref, g1_ref, be1_ref, w2_ref, b2_ref,
                emb_ref, logit_ref):
    score = score_ref[...]
    bcol = batch_ref[...]
    key = bcol.astype(jnp.float32) * 4.0 - score
    icol = lax.broadcasted_iota(jnp.int32, (NP, 1), 0)
    lane = lax.broadcasted_iota(jnp.int32, (1, 128), 1)

    def body(r, rank):
        kj = (batch80_ref[pl.ds(r, 1), :].astype(jnp.float32) * 4.0
              - score80_ref[pl.ds(r, 1), :])
        ij = r * 128 + lane
        lt = kj < key
        eqb = (kj == key) & (ij < icol)
        contrib = jnp.where(lt | eqb, 1.0, 0.0)
        return rank + jnp.sum(contrib, axis=1, keepdims=True)

    rank = lax.fori_loop(0, 80, body, jnp.zeros((NP, 1), jnp.float32))

    gid = lax.broadcasted_iota(jnp.int32, (1, B), 1)
    onehot = (bcol == gid).astype(jnp.float32)
    counts = jnp.sum(onehot, axis=0, keepdims=True)
    kper = jnp.floor((counts + 1.0) * 0.5)
    gj = lax.broadcasted_iota(jnp.int32, (B, 1), 0)
    lt_tri = (gj < gid).astype(jnp.float32)
    ch, cm, _ = _split3(counts)
    lt_b = lt_tri.astype(jnp.bfloat16)
    starts = _dot(ch, lt_b) + _dot(cm, lt_b)
    thr = starts + kper
    th, tm, _ = _split3(thr.reshape(B, 1))
    oh_b = onehot.astype(jnp.bfloat16)
    thr_col = _dot(oh_b, th) + _dot(oh_b, tm)
    sel = (rank < thr_col).astype(jnp.float32)
    xp = h_ref[...] * (score * sel)
    xh, xm, xl = _split3(xp)
    ct = lambda p, q: lax.dot_general(p, q, (((0,), (0,)), ((), ())),
                                     preferred_element_type=jnp.float32)
    emb = ct(oh_b, xh) + ct(oh_b, xm) + ct(oh_b, xl)
    emb_ref[...] = emb

    o = _dot6(emb, w1_ref[...]) + b1_ref[...]
    m = jnp.sum(o, axis=0, keepdims=True) / B
    d = o - m
    v = jnp.sum(d * d, axis=0, keepdims=True) / B
    o = jnp.maximum(d / jnp.sqrt(v + _BN_EPS) * g1_ref[...] + be1_ref[...], 0.0)
    logit_ref[...] = _dot6(o, w2_ref[...]) + b2_ref[...]


def _final_tc(score, score80, batch_col, batch80, h, params):
    return pl.pallas_call(
        _final_body,
        out_shape=[jax.ShapeDtypeStruct((B, D), jnp.float32),
                   jax.ShapeDtypeStruct((B, 64), jnp.float32)],
        compiler_params=_CP,
    )(score, score80, batch_col, batch80, h,
      params['lin1']['W'], params['lin1']['b'].reshape(1, D),
      params['bn1']['g'].reshape(1, D), params['bn1']['be'].reshape(1, D),
      params['lin2']['W'], params['lin2']['b'].reshape(1, 64))


def kernel(x, edge_index, batch, y, params):
    del y
    src = edge_index[0].astype(jnp.int32)
    dst = edge_index[1].astype(jnp.int32)
    zero = jnp.zeros((NP, D), jnp.float32)
    h = jnp.concatenate([x, jnp.zeros((NP - N, D), jnp.float32)], axis=0)
    for lp in params['layers']:
        pp = _seg_sum_sc(h, src, dst, zero)
        h = _mlp_tc(pp, h, lp)
    pp = _seg_sum_sc(h, src, dst, zero)
    score = _score_tc(pp, h, params['sag'])
    score80 = score.reshape(80, 128)
    bpad = jnp.concatenate([batch.astype(jnp.int32),
                            jnp.full((NP - N,), B, jnp.int32)])
    emb, logits = _final_tc(score, score80, bpad.reshape(NP, 1),
                            bpad.reshape(80, 128), h, params)
    return emb, logits

# --- scband reference (transcript-rebuilt; emitter-appended) ---
"""Pipeline reference for scband-global-sag-38817914421917 (READ-ONLY COPY).

The authoritative reference and input builder live on the scoring server;
editing this copy changes nothing except your own understanding.
"""

import jax, jax.numpy as jnp
import numpy as np

N_NODES = 10000
N_EDGES = 320000
D = 128
H = 128
OUT = 64
B = 64


def _bn(x, g, b, eps=1e-5):
    m = jnp.mean(x, axis=0)
    v = jnp.var(x, axis=0)
    return (x - m) / jnp.sqrt(v + eps) * g + b


def _lin_init(k, i, j):
    return jax.random.normal(k, (i, j), jnp.float32) * (1.0 / np.sqrt(i))


def _init_params(key):
    ks = jax.random.split(key, 12)
    layers = []
    for li in range(2):
        layers.append({
            'eps': jnp.zeros(()),
            'W1': _lin_init(ks[2 * li], H, 2 * H), 'b1': jnp.zeros((2 * H,)),
            'g1': jnp.ones((2 * H,)), 'be1': jnp.zeros((2 * H,)),
            'W2': _lin_init(ks[2 * li + 1], 2 * H, H), 'b2': jnp.zeros((H,)),
            'g': jnp.ones((H,)), 'be': jnp.zeros((H,))})
    return {
        'layers': layers,
        'sag': {'Wrel': _lin_init(ks[4], H, 1), 'brel': jnp.zeros((1,)), 'Wroot': _lin_init(ks[5], H, 1)},
        'lin1': {'W': _lin_init(ks[6], H, H), 'b': jnp.zeros((H,))},
        'bn1': {'g': jnp.ones((H,)), 'be': jnp.zeros((H,))},
        'lin2': {'W': _lin_init(ks[7], H, OUT), 'b': jnp.zeros((OUT,))}}


def setup_inputs(seed: int = 0):
    key = jax.random.key(seed)
    ks = jax.random.split(key, 5)
    x = jax.random.normal(ks[0], (N_NODES, D), jnp.float32)
    edge_index = jax.random.randint(ks[1], (2, N_EDGES), 0, N_NODES)
    batch = jnp.sort(jax.random.randint(ks[2], (N_NODES,), 0, B))
    y = jax.random.randint(ks[3], (B,), 0, OUT)
    params = _init_params(ks[4])
    return {'x': x, 'edge_index': edge_index, 'batch': batch, 'y': y, 'params': params}


def _forward(x, params, edge_index, batch, y):
    src, dst = edge_index[0], edge_index[1]
    n = x.shape[0]
    h = x
    for lp in params['layers']:
        agg = jax.ops.segment_sum(h[src], dst, num_segments=n)
        z = (1.0 + lp['eps']) * h + agg
        z = z @ lp['W1'] + lp['b1']
        z = jax.nn.relu(_bn(z, lp['g1'], lp['be1']))
        z = z @ lp['W2'] + lp['b2']
        h = jax.nn.relu(_bn(z, lp['g'], lp['be']))
    agg = jax.ops.segment_sum(h[src], dst, num_segments=n)
    score = jnp.tanh((agg @ params['sag']['Wrel'] + params['sag']['brel'] + h @ params['sag']['Wroot']).reshape(-1))
    counts = jnp.bincount(batch, length=B)
    kper = jnp.ceil(0.5 * counts).astype(jnp.int32)
    order = jnp.argsort(batch.astype(jnp.float32) * 4.0 - score)
    starts = jnp.concatenate([jnp.zeros((1,), counts.dtype), jnp.cumsum(counts)[:-1]])
    sb = batch[order]
    rank = jnp.arange(n) - starts[sb]
    sel_sorted = rank < kper[sb]
    sel = jnp.zeros((n,), bool).at[order].set(sel_sorted)
    xp = jnp.where(sel[:, None], h * score[:, None], 0.0)
    embedding = jax.ops.segment_sum(xp, batch, num_segments=B)
    if y.shape[0] != 1:
        out = _bn(embedding @ params['lin1']['W'] + params['lin1']['b'], params['bn1']['g'], params['bn1']['be'])
    else:
        out = embedding
    out = jax.nn.relu(out)
    logits = out @ params['lin2']['W'] + params['lin2']['b']
    return (embedding, logits)


def reference(x, edge_index, batch, y, params):
    return _forward(x, params, edge_index, batch, y)

if __name__ == "__main__":
    import jax
    _d = setup_inputs()
    print(jax.jit(kernel)(*tuple(_d.values())))

</pallas_src>

<mosaic_0001>
#map = affine_map<(d0, d1) -> (0, 0)>
#map1 = affine_map<(d0, d1) -> (0)>
module attributes {stable_mosaic.version = 14 : i64} {
  func.func @_seg_sum_body(%arg0: i32, %arg1: i32, %arg2: memref<10240x128xf32, #tpu.memory_space<hbm>>, %arg3: memref<320000xi32, #tpu.memory_space<hbm>>, %arg4: memref<320000xi32, #tpu.memory_space<hbm>>, %arg5: memref<10240x128xf32, #tpu.memory_space<hbm>>, %arg6: memref<20480x128xf32, #tpu.memory_space<hbm>>, %arg7: memref<10240x128xf32, #tpu.memory_space<vmem_shared>>, %arg8: memref<80xi32, #tpu.memory_space<vmem>>, %arg9: memref<80xi32, #tpu.memory_space<vmem>>, %arg10: memref<80x128xf32, #tpu.memory_space<vmem>>, %arg11: memref<!tpu.dma_semaphore, #tpu.memory_space<semaphore_mem>>) attributes {dimension_semantics = [#tpu.dimension_semantics<core_parallel>, #tpu.dimension_semantics<subcore_parallel>], iteration_bounds = array<i64: 2, 16>, scalar_prefetch = 0 : i64, scratch_operands = 5 : i64, tpu.core_type = #tpu.core_type<sc_vector_subcore>, window_params = [{transform_indices = #map}, {transform_indices = #map1}, {transform_indices = #map1}, {transform_indices = #map}, {transform_indices = #map}]} {
    %mul3A = arith.constant 640 : i32
    %mul3A_0 = arith.muli %arg1, %mul3A : i32
    %mul3A_1 = arith.constant 640 : i32
    %mul3A_2 = arith.muli %arg1, %mul3A_1 : i32
    "tpu.region"() ({
      %run_scoped3A = tpu.sem_alloc : memref<!tpu.dma_semaphore, #tpu.memory_space<semaphore_mem>>
      %dma_start3A = arith.constant 0 : i32
      %dma_start3A_20 = tpu.memref_slice %arg7[%mul3A_2, %dma_start3A] : memref<10240x128xf32, #tpu.memory_space<vmem_shared>> -> memref<640x128xf32, #tpu.memory_space<vmem_shared>>
      %dma_start3A_21 = arith.constant 0 : i32
      %dma_start3A_22 = tpu.memref_slice %arg5[%mul3A_0, %dma_start3A_21] : memref<10240x128xf32, #tpu.memory_space<hbm>> -> memref<640x128xf32, #tpu.memory_space<hbm>>
      tpu.enqueue_dma source(%dma_start3A_22 : memref<640x128xf32, #tpu.memory_space<hbm>>) target(%dma_start3A_20 : memref<640x128xf32, #tpu.memory_space<vmem_shared>>) target_semaphore(%run_scoped3A : memref<!tpu.dma_semaphore, #tpu.memory_space<semaphore_mem>>)
      %dma_wait3A = arith.constant 0 : i32
      %dma_wait3A_23 = tpu.memref_slice %arg7[%mul3A_2, %dma_wait3A] : memref<10240x128xf32, #tpu.memory_space<vmem_shared>> -> memref<640x128xf32, #tpu.memory_space<vmem_shared>>
      %dma_wait3A_24 = arith.constant 0 : i32
      %dma_wait3A_25 = tpu.memref_slice %arg5[%mul3A_0, %dma_wait3A_24] : memref<10240x128xf32, #tpu.memory_space<hbm>> -> memref<640x128xf32, #tpu.memory_space<hbm>>
      tpu.wait_dma2 semaphore(%run_scoped3A : memref<!tpu.dma_semaphore, #tpu.memory_space<semaphore_mem>>) src(%dma_wait3A_25 : memref<640x128xf32, #tpu.memory_space<hbm>>) dst(%dma_wait3A_23 : memref<640x128xf32, #tpu.memory_space<vmem_shared>>)
      tpu.yield
    }) : () -> ()
    %barrier3A = arith.constant 0 : index
    tpu.barrier barrier_id(%barrier3A)
    %mul3A_3 = arith.constant 16 : i32
    %mul3A_4 = arith.muli %arg0, %mul3A_3 : i32
    %add3A = arith.addi %mul3A_4, %arg1 : i32
    %mul3A_5 = arith.constant 10000 : i32
    %mul3A_6 = arith.muli %add3A, %mul3A_5 : i32
    %scan3A = arith.constant 0 : i32
    %scan3A_7 = arith.constant 0 : i32
    %scan3A_8 = arith.constant 125 : i32
    %scan3A_9 = arith.addi %scan3A_7, %scan3A_8 : i32
    %scan3A_10 = arith.constant 1 : i32
    scf.for %scan3A_20 = %scan3A_7 to %scan3A_9 step %scan3A_10  : i32 {
      %mul3A_21 = arith.constant 80 : i32
      %mul3A_22 = arith.muli %scan3A_20, %mul3A_21 : i32
      %add3A_23 = arith.addi %mul3A_6, %mul3A_22 : i32
      "tpu.region"() ({
        %run_scoped3A = tpu.sem_alloc : memref<!tpu.dma_semaphore, #tpu.memory_space<semaphore_mem>>
        %dma_start3A_28 = tpu.memref_slice %arg3[%add3A_23] : memref<320000xi32, #tpu.memory_space<hbm>> -> memref<80xi32, #tpu.memory_space<hbm>>
        %dma_start3A_29 = tpu.memref_slice %arg3[%add3A_23] : memref<320000xi32, #tpu.memory_space<hbm>> -> memref<80xi32, #tpu.memory_space<hbm>>
        tpu.enqueue_dma source(%dma_start3A_29 : memref<80xi32, #tpu.memory_space<hbm>>) target(%arg8 : memref<80xi32, #tpu.memory_space<vmem>>) target_semaphore(%run_scoped3A : memref<!tpu.dma_semaphore, #tpu.memory_space<semaphore_mem>>)
        %dma_wait3A_30 = tpu.memref_slice %arg3[%add3A_23] : memref<320000xi32, #tpu.memory_space<hbm>> -> memref<80xi32, #tpu.memory_space<hbm>>
        %dma_wait3A_31 = tpu.memref_slice %arg3[%add3A_23] : memref<320000xi32, #tpu.memory_space<hbm>> -> memref<80xi32, #tpu.memory_space<hbm>>
        tpu.wait_dma2 semaphore(%run_scoped3A : memref<!tpu.dma_semaphore, #tpu.memory_space<semaphore_mem>>) src(%dma_wait3A_31 : memref<80xi32, #tpu.memory_space<hbm>>) dst(%arg8 : memref<80xi32, #tpu.memory_space<vmem>>)
        tpu.yield
      }) : () -> ()
      "tpu.region"() ({
        %run_scoped3A = tpu.sem_alloc : memref<!tpu.dma_semaphore, #tpu.memory_space<semaphore_mem>>
        %dma_start3A_28 = tpu.memref_slice %arg4[%add3A_23] : memref<320000xi32, #tpu.memory_space<hbm>> -> memref<80xi32, #tpu.memory_space<hbm>>
        %dma_start3A_29 = tpu.memref_slice %arg4[%add3A_23] : memref<320000xi32, #tpu.memory_space<hbm>> -> memref<80xi32, #tpu.memory_space<hbm>>
        tpu.enqueue_dma source(%dma_start3A_29 : memref<80xi32, #tpu.memory_space<hbm>>) target(%arg9 : memref<80xi32, #tpu.memory_space<vmem>>) target_semaphore(%run_scoped3A : memref<!tpu.dma_semaphore, #tpu.memory_space<semaphore_mem>>)
        %dma_wait3A_30 = tpu.memref_slice %arg4[%add3A_23] : memref<320000xi32, #tpu.memory_space<hbm>> -> memref<80xi32, #tpu.memory_space<hbm>>
        %dma_wait3A_31 = tpu.memref_slice %arg4[%add3A_23] : memref<320000xi32, #tpu.memory_space<hbm>> -> memref<80xi32, #tpu.memory_space<hbm>>
        tpu.wait_dma2 semaphore(%run_scoped3A : memref<!tpu.dma_semaphore, #tpu.memory_space<semaphore_mem>>) src(%dma_wait3A_31 : memref<80xi32, #tpu.memory_space<hbm>>) dst(%arg9 : memref<80xi32, #tpu.memory_space<vmem>>)
        tpu.yield
      }) : () -> ()
      %dma_start3A = arith.constant 0 : i32
      %dma_start3A_24 = arith.constant 0 : i32
      %dma_start3A_25 = tpu.memref_slice %arg2[%dma_start3A, %dma_start3A_24] : memref<10240x128xf32, #tpu.memory_space<hbm>> -> memref<10240x128xf32, #tpu.memory_space<hbm>>
      tpu.enqueue_indirect_dma source(%dma_start3A_25 : memref<10240x128xf32, #tpu.memory_space<hbm>>) target(%arg10 : memref<80x128xf32, #tpu.memory_space<vmem>>) offsets(%arg8 : memref<80xi32, #tpu.memory_space<vmem>>) semaphore(%arg11 : memref<!tpu.dma_semaphore, #tpu.memory_space<semaphore_mem>>)
      %dma_wait3A = arith.constant 0 : i32
      %dma_wait3A_26 = arith.constant 0 : i32
      %dma_wait3A_27 = tpu.memref_slice %arg2[%dma_wait3A, %dma_wait3A_26] : memref<10240x128xf32, #tpu.memory_space<hbm>> -> memref<10240x128xf32, #tpu.memory_space<hbm>>
      tpu.wait_indirect_dma semaphore(%arg11 : memref<!tpu.dma_semaphore, #tpu.memory_space<semaphore_mem>>) src(%dma_wait3A_27 : memref<10240x128xf32, #tpu.memory_space<hbm>>) dst(%arg10 : memref<80x128xf32, #tpu.memory_space<vmem>>)
      "tpu.region"() ({
        %run_scoped3A = tpu.sem_alloc : memref<!tpu.dma_semaphore, #tpu.memory_space<semaphore_mem>>
        %dma_start3A_28 = arith.constant 0 : i32
        %dma_start3A_29 = arith.constant 0 : i32
        %dma_start3A_30 = tpu.memref_slice %arg7[%dma_start3A_28, %dma_start3A_29] : memref<10240x128xf32, #tpu.memory_space<vmem_shared>> -> memref<10240x128xf32, #tpu.memory_space<vmem_shared>>
        tpu.enqueue_indirect_dma source(%arg10 : memref<80x128xf32, #tpu.memory_space<vmem>>) target(%dma_start3A_30 : memref<10240x128xf32, #tpu.memory_space<vmem_shared>>) offsets(%arg9 : memref<80xi32, #tpu.memory_space<vmem>>) semaphore(%run_scoped3A : memref<!tpu.dma_semaphore, #tpu.memory_space<semaphore_mem>>) {add = true}
        %dma_wait3A_31 = arith.constant 0 : i32
        %dma_wait3A_32 = arith.constant 0 : i32
        %dma_wait3A_33 = tpu.memref_slice %arg7[%dma_wait3A_31, %dma_wait3A_32] : memref<10240x128xf32, #tpu.memory_space<vmem_shared>> -> memref<10240x128xf32, #tpu.memory_space<vmem_shared>>
        tpu.wait_indirect_dma semaphore(%run_scoped3A : memref<!tpu.dma_semaphore, #tpu.memory_space<semaphore_mem>>) src(%arg10 : memref<80x128xf32, #tpu.memory_space<vmem>>) dst(%dma_wait3A_33 : memref<10240x128xf32, #tpu.memory_space<vmem_shared>>)
        tpu.yield
      }) : () -> ()
    }
    %scan3A_11 = arith.constant 125 : i32
    %barrier3A_12 = arith.constant 0 : index
    tpu.barrier barrier_id(%barrier3A_12)
    %mul3A_13 = arith.constant 640 : i32
    %mul3A_14 = arith.muli %arg1, %mul3A_13 : i32
    %mul3A_15 = arith.constant 10240 : i32
    %mul3A_16 = arith.muli %arg0, %mul3A_15 : i32
    %mul3A_17 = arith.constant 640 : i32
    %mul3A_18 = arith.muli %arg1, %mul3A_17 : i32
    %add3A_19 = arith.addi %mul3A_16, %mul3A_18 : i32
    "tpu.region"() ({
      %run_scoped3A = tpu.sem_alloc : memref<!tpu.dma_semaphore, #tpu.memory_space<semaphore_mem>>
      %dma_start3A = arith.constant 0 : i32
      %dma_start3A_20 = tpu.memref_slice %arg6[%add3A_19, %dma_start3A] : memref<20480x128xf32, #tpu.memory_space<hbm>> -> memref<640x128xf32, #tpu.memory_space<hbm>>
      %dma_start3A_21 = arith.constant 0 : i32
      %dma_start3A_22 = tpu.memref_slice %arg7[%mul3A_14, %dma_start3A_21] : memref<10240x128xf32, #tpu.memory_space<vmem_shared>> -> memref<640x128xf32, #tpu.memory_space<vmem_shared>>
      tpu.enqueue_dma source(%dma_start3A_22 : memref<640x128xf32, #tpu.memory_space<vmem_shared>>) target(%dma_start3A_20 : memref<640x128xf32, #tpu.memory_space<hbm>>) target_semaphore(%run_scoped3A : memref<!tpu.dma_semaphore, #tpu.memory_space<semaphore_mem>>)
      %dma_wait3A = arith.constant 0 : i32
      %dma_wait3A_23 = tpu.memref_slice %arg6[%add3A_19, %dma_wait3A] : memref<20480x128xf32, #tpu.memory_space<hbm>> -> memref<640x128xf32, #tpu.memory_space<hbm>>
      %dma_wait3A_24 = arith.constant 0 : i32
      %dma_wait3A_25 = tpu.memref_slice %arg7[%mul3A_14, %dma_wait3A_24] : memref<10240x128xf32, #tpu.memory_space<vmem_shared>> -> memref<640x128xf32, #tpu.memory_space<vmem_shared>>
      tpu.wait_dma2 semaphore(%run_scoped3A : memref<!tpu.dma_semaphore, #tpu.memory_space<semaphore_mem>>) src(%dma_wait3A_25 : memref<640x128xf32, #tpu.memory_space<vmem_shared>>) dst(%dma_wait3A_23 : memref<640x128xf32, #tpu.memory_space<hbm>>)
      tpu.yield
    }) : () -> ()
    return
  }
}

#map = affine_map<(d0, d1) -> (0, 0)>
#map1 = affine_map<(d0, d1) -> (0)>
module attributes {stable_mosaic.version = 14 : i64} {
  func.func @_seg_sum_body(%arg0: i32, %arg1: i32, %arg2: memref<10240x128xf32, #tpu.memory_space<hbm>>, %arg3: memref<320000xi32, #tpu.memory_space<hbm>>, %arg4: memref<320000xi32, #tpu.memory_space<hbm>>, %arg5: memref<10240x128xf32, #tpu.memory_space<hbm>>, %arg6: memref<20480x128xf32, #tpu.memory_space<hbm>>, %arg7: memref<10240x128xf32, #tpu.memory_space<vmem_shared>>, %arg8: memref<80xi32, #tpu.memory_space<vmem>>, %arg9: memref<80xi32, #tpu.memory_space<vmem>>, %arg10: memref<80x128xf32, #tpu.memory_space<vmem>>, %arg11: memref<!tpu.dma_semaphore, #tpu.memory_space<semaphore_mem>>) attributes {dimension_semantics = [#tpu.dimension_semantics<core_parallel>, #tpu.dimension_semantics<subcore_parallel>], iteration_bounds = array<i64: 2, 16>, scalar_prefetch = 0 : i64, scratch_operands = 5 : i64, tpu.core_type = #tpu.core_type<sc_vector_subcore>, window_params = [{transform_indices = #map}, {transform_indices = #map1}, {transform_indices = #map1}, {transform_indices = #map}, {transform_indices = #map}]} {
    %mul3A = arith.constant 640 : i32
    %mul3A_0 = arith.muli %arg1, %mul3A : i32
    %mul3A_1 = arith.constant 640 : i32
    %mul3A_2 = arith.muli %arg1, %mul3A_1 : i32
    "tpu.region"() ({
      %run_scoped3A = tpu.sem_alloc : memref<!tpu.dma_semaphore, #tpu.memory_space<semaphore_mem>>
      %dma_start3A = arith.constant 0 : i32
      %dma_start3A_20 = tpu.memref_slice %arg7[%mul3A_2, %dma_start3A] : memref<10240x128xf32, #tpu.memory_space<vmem_shared>> -> memref<640x128xf32, #tpu.memory_space<vmem_shared>>
      %dma_start3A_21 = arith.constant 0 : i32
      %dma_start3A_22 = tpu.memref_slice %arg5[%mul3A_0, %dma_start3A_21] : memref<10240x128xf32, #tpu.memory_space<hbm>> -> memref<640x128xf32, #tpu.memory_space<hbm>>
      tpu.enqueue_dma source(%dma_start3A_22 : memref<640x128xf32, #tpu.memory_space<hbm>>) target(%dma_start3A_20 : memref<640x128xf32, #tpu.memory_space<vmem_shared>>) target_semaphore(%run_scoped3A : memref<!tpu.dma_semaphore, #tpu.memory_space<semaphore_mem>>)
      %dma_wait3A = arith.constant 0 : i32
      %dma_wait3A_23 = tpu.memref_slice %arg7[%mul3A_2, %dma_wait3A] : memref<10240x128xf32, #tpu.memory_space<vmem_shared>> -> memref<640x128xf32, #tpu.memory_space<vmem_shared>>
      %dma_wait3A_24 = arith.constant 0 : i32
      %dma_wait3A_25 = tpu.memref_slice %arg5[%mul3A_0, %dma_wait3A_24] : memref<10240x128xf32, #tpu.memory_space<hbm>> -> memref<640x128xf32, #tpu.memory_space<hbm>>
      tpu.wait_dma2 semaphore(%run_scoped3A : memref<!tpu.dma_semaphore, #tpu.memory_space<semaphore_mem>>) src(%dma_wait3A_25 : memref<640x128xf32, #tpu.memory_space<hbm>>) dst(%dma_wait3A_23 : memref<640x128xf32, #tpu.memory_space<vmem_shared>>)
      tpu.yield
    }) : () -> ()
    %barrier3A = arith.constant 0 : index
    tpu.barrier barrier_id(%barrier3A)
    %mul3A_3 = arith.constant 16 : i32
    %mul3A_4 = arith.muli %arg0, %mul3A_3 : i32
    %add3A = arith.addi %mul3A_4, %arg1 : i32
    %mul3A_5 = arith.constant 10000 : i32
    %mul3A_6 = arith.muli %add3A, %mul3A_5 : i32
    %scan3A = arith.constant 0 : i32
    %scan3A_7 = arith.constant 0 : i32
    %scan3A_8 = arith.constant 125 : i32
    %scan3A_9 = arith.addi %scan3A_7, %scan3A_8 : i32
    %scan3A_10 = arith.constant 1 : i32
    scf.for %scan3A_20 = %scan3A_7 to %scan3A_9 step %scan3A_10  : i32 {
      %mul3A_21 = arith.constant 80 : i32
      %mul3A_22 = arith.muli %scan3A_20, %mul3A_21 : i32
      %add3A_23 = arith.addi %mul3A_6, %mul3A_22 : i32
      "tpu.region"() ({
        %run_scoped3A = tpu.sem_alloc : memref<!tpu.dma_semaphore, #tpu.memory_space<semaphore_mem>>
        %dma_start3A_28 = tpu.memref_slice %arg3[%add3A_23] : memref<320000xi32, #tpu.memory_space<hbm>> -> memref<80xi32, #tpu.memory_space<hbm>>
        %dma_start3A_29 = tpu.memref_slice %arg3[%add3A_23] : memref<320000xi32, #tpu.memory_space<hbm>> -> memref<80xi32, #tpu.memory_space<hbm>>
        tpu.enqueue_dma source(%dma_start3A_29 : memref<80xi32, #tpu.memory_space<hbm>>) target(%arg8 : memref<80xi32, #tpu.memory_space<vmem>>) target_semaphore(%run_scoped3A : memref<!tpu.dma_semaphore, #tpu.memory_space<semaphore_mem>>)
        %dma_wait3A_30 = tpu.memref_slice %arg3[%add3A_23] : memref<320000xi32, #tpu.memory_space<hbm>> -> memref<80xi32, #tpu.memory_space<hbm>>
        %dma_wait3A_31 = tpu.memref_slice %arg3[%add3A_23] : memref<320000xi32, #tpu.memory_space<hbm>> -> memref<80xi32, #tpu.memory_space<hbm>>
        tpu.wait_dma2 semaphore(%run_scoped3A : memref<!tpu.dma_semaphore, #tpu.memory_space<semaphore_mem>>) src(%dma_wait3A_31 : memref<80xi32, #tpu.memory_space<hbm>>) dst(%arg8 : memref<80xi32, #tpu.memory_space<vmem>>)
        tpu.yield
      }) : () -> ()
      "tpu.region"() ({
        %run_scoped3A = tpu.sem_alloc : memref<!tpu.dma_semaphore, #tpu.memory_space<semaphore_mem>>
        %dma_start3A_28 = tpu.memref_slice %arg4[%add3A_23] : memref<320000xi32, #tpu.memory_space<hbm>> -> memref<80xi32, #tpu.memory_space<hbm>>
        %dma_start3A_29 = tpu.memref_slice %arg4[%add3A_23] : memref<320000xi32, #tpu.memory_space<hbm>> -> memref<80xi32, #tpu.memory_space<hbm>>
        tpu.enqueue_dma source(%dma_start3A_29 : memref<80xi32, #tpu.memory_space<hbm>>) target(%arg9 : memref<80xi32, #tpu.memory_space<vmem>>) target_semaphore(%run_scoped3A : memref<!tpu.dma_semaphore, #tpu.memory_space<semaphore_mem>>)
        %dma_wait3A_30 = tpu.memref_slice %arg4[%add3A_23] : memref<320000xi32, #tpu.memory_space<hbm>> -> memref<80xi32, #tpu.memory_space<hbm>>
        %dma_wait3A_31 = tpu.memref_slice %arg4[%add3A_23] : memref<320000xi32, #tpu.memory_space<hbm>> -> memref<80xi32, #tpu.memory_space<hbm>>
        tpu.wait_dma2 semaphore(%run_scoped3A : memref<!tpu.dma_semaphore, #tpu.memory_space<semaphore_mem>>) src(%dma_wait3A_31 : memref<80xi32, #tpu.memory_space<hbm>>) dst(%arg9 : memref<80xi32, #tpu.memory_space<vmem>>)
        tpu.yield
      }) : () -> ()
      %dma_start3A = arith.constant 0 : i32
      %dma_start3A_24 = arith.constant 0 : i32
      %dma_start3A_25 = tpu.memref_slice %arg2[%dma_start3A, %dma_start3A_24] : memref<10240x128xf32, #tpu.memory_space<hbm>> -> memref<10240x128xf32, #tpu.memory_space<hbm>>
      tpu.enqueue_indirect_dma source(%dma_start3A_25 : memref<10240x128xf32, #tpu.memory_space<hbm>>) target(%arg10 : memref<80x128xf32, #tpu.memory_space<vmem>>) offsets(%arg8 : memref<80xi32, #tpu.memory_space<vmem>>) semaphore(%arg11 : memref<!tpu.dma_semaphore, #tpu.memory_space<semaphore_mem>>)
      %dma_wait3A = arith.constant 0 : i32
      %dma_wait3A_26 = arith.constant 0 : i32
      %dma_wait3A_27 = tpu.memref_slice %arg2[%dma_wait3A, %dma_wait3A_26] : memref<10240x128xf32, #tpu.memory_space<hbm>> -> memref<10240x128xf32, #tpu.memory_space<hbm>>
      tpu.wait_indirect_dma semaphore(%arg11 : memref<!tpu.dma_semaphore, #tpu.memory_space<semaphore_mem>>) src(%dma_wait3A_27 : memref<10240x128xf32, #tpu.memory_space<hbm>>) dst(%arg10 : memref<80x128xf32, #tpu.memory_space<vmem>>)
      "tpu.region"() ({
        %run_scoped3A = tpu.sem_alloc : memref<!tpu.dma_semaphore, #tpu.memory_space<semaphore_mem>>
        %dma_start3A_28 = arith.constant 0 : i32
        %dma_start3A_29 = arith.constant 0 : i32
        %dma_start3A_30 = tpu.memref_slice %arg7[%dma_start3A_28, %dma_start3A_29] : memref<10240x128xf32, #tpu.memory_space<vmem_shared>> -> memref<10240x128xf32, #tpu.memory_space<vmem_shared>>
        tpu.enqueue_indirect_dma source(%arg10 : memref<80x128xf32, #tpu.memory_space<vmem>>) target(%dma_start3A_30 : memref<10240x128xf32, #tpu.memory_space<vmem_shared>>) offsets(%arg9 : memref<80xi32, #tpu.memory_space<vmem>>) semaphore(%run_scoped3A : memref<!tpu.dma_semaphore, #tpu.memory_space<semaphore_mem>>) {add = true}
        %dma_wait3A_31 = arith.constant 0 : i32
        %dma_wait3A_32 = arith.constant 0 : i32
        %dma_wait3A_33 = tpu.memref_slice %arg7[%dma_wait3A_31, %dma_wait3A_32] : memref<10240x128xf32, #tpu.memory_space<vmem_shared>> -> memref<10240x128xf32, #tpu.memory_space<vmem_shared>>
        tpu.wait_indirect_dma semaphore(%run_scoped3A : memref<!tpu.dma_semaphore, #tpu.memory_space<semaphore_mem>>) src(%arg10 : memref<80x128xf32, #tpu.memory_space<vmem>>) dst(%dma_wait3A_33 : memref<10240x128xf32, #tpu.memory_space<vmem_shared>>)
        tpu.yield
      }) : () -> ()
    }
    %scan3A_11 = arith.constant 125 : i32
    %barrier3A_12 = arith.constant 0 : index
    tpu.barrier barrier_id(%barrier3A_12)
    %mul3A_13 = arith.constant 640 : i32
    %mul3A_14 = arith.muli %arg1, %mul3A_13 : i32
    %mul3A_15 = arith.constant 10240 : i32
    %mul3A_16 = arith.muli %arg0, %mul3A_15 : i32
    %mul3A_17 = arith.constant 640 : i32
    %mul3A_18 = arith.muli %arg1, %mul3A_17 : i32
    %add3A_19 = arith.addi %mul3A_16, %mul3A_18 : i32
    "tpu.region"() ({
      %run_scoped3A = tpu.sem_alloc : memref<!tpu.dma_semaphore, #tpu.memory_space<semaphore_mem>>
      %dma_start3A = arith.constant 0 : i32
      %dma_start3A_20 = tpu.memref_slice %arg6[%add3A_19, %dma_start3A] : memref<20480x128xf32, #tpu.memory_space<hbm>> -> memref<640x128xf32, #tpu.memory_space<hbm>>
      %dma_start3A_21 = arith.constant 0 : i32
      %dma_start3A_22 = tpu.memref_slice %arg7[%mul3A_14, %dma_start3A_21] : memref<10240x128xf32, #tpu.memory_space<vmem_shared>> -> memref<640x128xf32, #tpu.memory_space<vmem_shared>>
      tpu.enqueue_dma source(%dma_start3A_22 : memref<640x128xf32, #tpu.memory_space<vmem_shared>>) target(%dma_start3A_20 : memref<640x128xf32, #tpu.memory_space<hbm>>) target_semaphore(%run_scoped3A : memref<!tpu.dma_semaphore, #tpu.memory_space<semaphore_mem>>)
      %dma_wait3A = arith.constant 0 : i32
      %dma_wait3A_23 = tpu.memref_slice %arg6[%add3A_19, %dma_wait3A] : memref<20480x128xf32, #tpu.memory_space<hbm>> -> memref<640x128xf32, #tpu.memory_space<hbm>>
      %dma_wait3A_24 = arith.constant 0 : i32
      %dma_wait3A_25 = tpu.memref_slice %arg7[%mul3A_14, %dma_wait3A_24] : memref<10240x128xf32, #tpu.memory_space<vmem_shared>> -> memref<640x128xf32, #tpu.memory_space<vmem_shared>>
      tpu.wait_dma2 semaphore(%run_scoped3A : memref<!tpu.dma_semaphore, #tpu.memory_space<semaphore_mem>>) src(%dma_wait3A_25 : memref<640x128xf32, #tpu.memory_space<vmem_shared>>) dst(%dma_wait3A_23 : memref<640x128xf32, #tpu.memory_space<hbm>>)
      tpu.yield
    }) : () -> ()
    return
  }
}

#map = affine_map<(d0, d1) -> (0, 0)>
#map1 = affine_map<(d0, d1) -> (0)>
module attributes {stable_mosaic.version = 14 : i64} {
  func.func @_seg_sum_body(%arg0: i32, %arg1: i32, %arg2: memref<10240x128xf32, #tpu.memory_space<hbm>>, %arg3: memref<320000xi32, #tpu.memory_space<hbm>>, %arg4: memref<320000xi32, #tpu.memory_space<hbm>>, %arg5: memref<10240x128xf32, #tpu.memory_space<hbm>>, %arg6: memref<20480x128xf32, #tpu.memory_space<hbm>>, %arg7: memref<10240x128xf32, #tpu.memory_space<vmem_shared>>, %arg8: memref<80xi32, #tpu.memory_space<vmem>>, %arg9: memref<80xi32, #tpu.memory_space<vmem>>, %arg10: memref<80x128xf32, #tpu.memory_space<vmem>>, %arg11: memref<!tpu.dma_semaphore, #tpu.memory_space<semaphore_mem>>) attributes {dimension_semantics = [#tpu.dimension_semantics<core_parallel>, #tpu.dimension_semantics<subcore_parallel>], iteration_bounds = array<i64: 2, 16>, scalar_prefetch = 0 : i64, scratch_operands = 5 : i64, tpu.core_type = #tpu.core_type<sc_vector_subcore>, window_params = [{transform_indices = #map}, {transform_indices = #map1}, {transform_indices = #map1}, {transform_indices = #map}, {transform_indices = #map}]} {
    %mul3A = arith.constant 640 : i32
    %mul3A_0 = arith.muli %arg1, %mul3A : i32
    %mul3A_1 = arith.constant 640 : i32
    %mul3A_2 = arith.muli %arg1, %mul3A_1 : i32
    "tpu.region"() ({
      %run_scoped3A = tpu.sem_alloc : memref<!tpu.dma_semaphore, #tpu.memory_space<semaphore_mem>>
      %dma_start3A = arith.constant 0 : i32
      %dma_start3A_20 = tpu.memref_slice %arg7[%mul3A_2, %dma_start3A] : memref<10240x128xf32, #tpu.memory_space<vmem_shared>> -> memref<640x128xf32, #tpu.memory_space<vmem_shared>>
      %dma_start3A_21 = arith.constant 0 : i32
      %dma_start3A_22 = tpu.memref_slice %arg5[%mul3A_0, %dma_start3A_21] : memref<10240x128xf32, #tpu.memory_space<hbm>> -> memref<640x128xf32, #tpu.memory_space<hbm>>
      tpu.enqueue_dma source(%dma_start3A_22 : memref<640x128xf32, #tpu.memory_space<hbm>>) target(%dma_start3A_20 : memref<640x128xf32, #tpu.memory_space<vmem_shared>>) target_semaphore(%run_scoped3A : memref<!tpu.dma_semaphore, #tpu.memory_space<semaphore_mem>>)
      %dma_wait3A = arith.constant 0 : i32
      %dma_wait3A_23 = tpu.memref_slice %arg7[%mul3A_2, %dma_wait3A] : memref<10240x128xf32, #tpu.memory_space<vmem_shared>> -> memref<640x128xf32, #tpu.memory_space<vmem_shared>>
      %dma_wait3A_24 = arith.constant 0 : i32
      %dma_wait3A_25 = tpu.memref_slice %arg5[%mul3A_0, %dma_wait3A_24] : memref<10240x128xf32, #tpu.memory_space<hbm>> -> memref<640x128xf32, #tpu.memory_space<hbm>>
      tpu.wait_dma2 semaphore(%run_scoped3A : memref<!tpu.dma_semaphore, #tpu.memory_space<semaphore_mem>>) src(%dma_wait3A_25 : memref<640x128xf32, #tpu.memory_space<hbm>>) dst(%dma_wait3A_23 : memref<640x128xf32, #tpu.memory_space<vmem_shared>>)
      tpu.yield
    }) : () -> ()
    %barrier3A = arith.constant 0 : index
    tpu.barrier barrier_id(%barrier3A)
    %mul3A_3 = arith.constant 16 : i32
    %mul3A_4 = arith.muli %arg0, %mul3A_3 : i32
    %add3A = arith.addi %mul3A_4, %arg1 : i32
    %mul3A_5 = arith.constant 10000 : i32
    %mul3A_6 = arith.muli %add3A, %mul3A_5 : i32
    %scan3A = arith.constant 0 : i32
    %scan3A_7 = arith.constant 0 : i32
    %scan3A_8 = arith.constant 125 : i32
    %scan3A_9 = arith.addi %scan3A_7, %scan3A_8 : i32
    %scan3A_10 = arith.constant 1 : i32
    scf.for %scan3A_20 = %scan3A_7 to %scan3A_9 step %scan3A_10  : i32 {
      %mul3A_21 = arith.constant 80 : i32
      %mul3A_22 = arith.muli %scan3A_20, %mul3A_21 : i32
      %add3A_23 = arith.addi %mul3A_6, %mul3A_22 : i32
      "tpu.region"() ({
        %run_scoped3A = tpu.sem_alloc : memref<!tpu.dma_semaphore, #tpu.memory_space<semaphore_mem>>
        %dma_start3A_28 = tpu.memref_slice %arg3[%add3A_23] : memref<320000xi32, #tpu.memory_space<hbm>> -> memref<80xi32, #tpu.memory_space<hbm>>
        %dma_start3A_29 = tpu.memref_slice %arg3[%add3A_23] : memref<320000xi32, #tpu.memory_space<hbm>> -> memref<80xi32, #tpu.memory_space<hbm>>
        tpu.enqueue_dma source(%dma_start3A_29 : memref<80xi32, #tpu.memory_space<hbm>>) target(%arg8 : memref<80xi32, #tpu.memory_space<vmem>>) target_semaphore(%run_scoped3A : memref<!tpu.dma_semaphore, #tpu.memory_space<semaphore_mem>>)
        %dma_wait3A_30 = tpu.memref_slice %arg3[%add3A_23] : memref<320000xi32, #tpu.memory_space<hbm>> -> memref<80xi32, #tpu.memory_space<hbm>>
        %dma_wait3A_31 = tpu.memref_slice %arg3[%add3A_23] : memref<320000xi32, #tpu.memory_space<hbm>> -> memref<80xi32, #tpu.memory_space<hbm>>
        tpu.wait_dma2 semaphore(%run_scoped3A : memref<!tpu.dma_semaphore, #tpu.memory_space<semaphore_mem>>) src(%dma_wait3A_31 : memref<80xi32, #tpu.memory_space<hbm>>) dst(%arg8 : memref<80xi32, #tpu.memory_space<vmem>>)
        tpu.yield
      }) : () -> ()
      "tpu.region"() ({
        %run_scoped3A = tpu.sem_alloc : memref<!tpu.dma_semaphore, #tpu.memory_space<semaphore_mem>>
        %dma_start3A_28 = tpu.memref_slice %arg4[%add3A_23] : memref<320000xi32, #tpu.memory_space<hbm>> -> memref<80xi32, #tpu.memory_space<hbm>>
        %dma_start3A_29 = tpu.memref_slice %arg4[%add3A_23] : memref<320000xi32, #tpu.memory_space<hbm>> -> memref<80xi32, #tpu.memory_space<hbm>>
        tpu.enqueue_dma source(%dma_start3A_29 : memref<80xi32, #tpu.memory_space<hbm>>) target(%arg9 : memref<80xi32, #tpu.memory_space<vmem>>) target_semaphore(%run_scoped3A : memref<!tpu.dma_semaphore, #tpu.memory_space<semaphore_mem>>)
        %dma_wait3A_30 = tpu.memref_slice %arg4[%add3A_23] : memref<320000xi32, #tpu.memory_space<hbm>> -> memref<80xi32, #tpu.memory_space<hbm>>
        %dma_wait3A_31 = tpu.memref_slice %arg4[%add3A_23] : memref<320000xi32, #tpu.memory_space<hbm>> -> memref<80xi32, #tpu.memory_space<hbm>>
        tpu.wait_dma2 semaphore(%run_scoped3A : memref<!tpu.dma_semaphore, #tpu.memory_space<semaphore_mem>>) src(%dma_wait3A_31 : memref<80xi32, #tpu.memory_space<hbm>>) dst(%arg9 : memref<80xi32, #tpu.memory_space<vmem>>)
        tpu.yield
      }) : () -> ()
      %dma_start3A = arith.constant 0 : i32
      %dma_start3A_24 = arith.constant 0 : i32
      %dma_start3A_25 = tpu.memref_slice %arg2[%dma_start3A, %dma_start3A_24] : memref<10240x128xf32, #tpu.memory_space<hbm>> -> memref<10240x128xf32, #tpu.memory_space<hbm>>
      tpu.enqueue_indirect_dma source(%dma_start3A_25 : memref<10240x128xf32, #tpu.memory_space<hbm>>) target(%arg10 : memref<80x128xf32, #tpu.memory_space<vmem>>) offsets(%arg8 : memref<80xi32, #tpu.memory_space<vmem>>) semaphore(%arg11 : memref<!tpu.dma_semaphore, #tpu.memory_space<semaphore_mem>>)
      %dma_wait3A = arith.constant 0 : i32
      %dma_wait3A_26 = arith.constant 0 : i32
      %dma_wait3A_27 = tpu.memref_slice %arg2[%dma_wait3A, %dma_wait3A_26] : memref<10240x128xf32, #tpu.memory_space<hbm>> -> memref<10240x128xf32, #tpu.memory_space<hbm>>
      tpu.wait_indirect_dma semaphore(%arg11 : memref<!tpu.dma_semaphore, #tpu.memory_space<semaphore_mem>>) src(%dma_wait3A_27 : memref<10240x128xf32, #tpu.memory_space<hbm>>) dst(%arg10 : memref<80x128xf32, #tpu.memory_space<vmem>>)
      "tpu.region"() ({
        %run_scoped3A = tpu.sem_alloc : memref<!tpu.dma_semaphore, #tpu.memory_space<semaphore_mem>>
        %dma_start3A_28 = arith.constant 0 : i32
        %dma_start3A_29 = arith.constant 0 : i32
        %dma_start3A_30 = tpu.memref_slice %arg7[%dma_start3A_28, %dma_start3A_29] : memref<10240x128xf32, #tpu.memory_space<vmem_shared>> -> memref<10240x128xf32, #tpu.memory_space<vmem_shared>>
        tpu.enqueue_indirect_dma source(%arg10 : memref<80x128xf32, #tpu.memory_space<vmem>>) target(%dma_start3A_30 : memref<10240x128xf32, #tpu.memory_space<vmem_shared>>) offsets(%arg9 : memref<80xi32, #tpu.memory_space<vmem>>) semaphore(%run_scoped3A : memref<!tpu.dma_semaphore, #tpu.memory_space<semaphore_mem>>) {add = true}
        %dma_wait3A_31 = arith.constant 0 : i32
        %dma_wait3A_32 = arith.constant 0 : i32
        %dma_wait3A_33 = tpu.memref_slice %arg7[%dma_wait3A_31, %dma_wait3A_32] : memref<10240x128xf32, #tpu.memory_space<vmem_shared>> -> memref<10240x128xf32, #tpu.memory_space<vmem_shared>>
        tpu.wait_indirect_dma semaphore(%run_scoped3A : memref<!tpu.dma_semaphore, #tpu.memory_space<semaphore_mem>>) src(%arg10 : memref<80x128xf32, #tpu.memory_space<vmem>>) dst(%dma_wait3A_33 : memref<10240x128xf32, #tpu.memory_space<vmem_shared>>)
        tpu.yield
      }) : () -> ()
    }
    %scan3A_11 = arith.constant 125 : i32
    %barrier3A_12 = arith.constant 0 : index
    tpu.barrier barrier_id(%barrier3A_12)
    %mul3A_13 = arith.constant 640 : i32
    %mul3A_14 = arith.muli %arg1, %mul3A_13 : i32
    %mul3A_15 = arith.constant 10240 : i32
    %mul3A_16 = arith.muli %arg0, %mul3A_15 : i32
    %mul3A_17 = arith.constant 640 : i32
    %mul3A_18 = arith.muli %arg1, %mul3A_17 : i32
    %add3A_19 = arith.addi %mul3A_16, %mul3A_18 : i32
    "tpu.region"() ({
      %run_scoped3A = tpu.sem_alloc : memref<!tpu.dma_semaphore, #tpu.memory_space<semaphore_mem>>
      %dma_start3A = arith.constant 0 : i32
      %dma_start3A_20 = tpu.memref_slice %arg6[%add3A_19, %dma_start3A] : memref<20480x128xf32, #tpu.memory_space<hbm>> -> memref<640x128xf32, #tpu.memory_space<hbm>>
      %dma_start3A_21 = arith.constant 0 : i32
      %dma_start3A_22 = tpu.memref_slice %arg7[%mul3A_14, %dma_start3A_21] : memref<10240x128xf32, #tpu.memory_space<vmem_shared>> -> memref<640x128xf32, #tpu.memory_space<vmem_shared>>
      tpu.enqueue_dma source(%dma_start3A_22 : memref<640x128xf32, #tpu.memory_space<vmem_shared>>) target(%dma_start3A_20 : memref<640x128xf32, #tpu.memory_space<hbm>>) target_semaphore(%run_scoped3A : memref<!tpu.dma_semaphore, #tpu.memory_space<semaphore_mem>>)
      %dma_wait3A = arith.constant 0 : i32
      %dma_wait3A_23 = tpu.memref_slice %arg6[%add3A_19, %dma_wait3A] : memref<20480x128xf32, #tpu.memory_space<hbm>> -> memref<640x128xf32, #tpu.memory_space<hbm>>
      %dma_wait3A_24 = arith.constant 0 : i32
      %dma_wait3A_25 = tpu.memref_slice %arg7[%mul3A_14, %dma_wait3A_24] : memref<10240x128xf32, #tpu.memory_space<vmem_shared>> -> memref<640x128xf32, #tpu.memory_space<vmem_shared>>
      tpu.wait_dma2 semaphore(%run_scoped3A : memref<!tpu.dma_semaphore, #tpu.memory_space<semaphore_mem>>) src(%dma_wait3A_25 : memref<640x128xf32, #tpu.memory_space<vmem_shared>>) dst(%dma_wait3A_23 : memref<640x128xf32, #tpu.memory_space<hbm>>)
      tpu.yield
    }) : () -> ()
    return
  }
}

module attributes {stable_mosaic.version = 14 : i64} {
  func.func @_mlp_body(%arg0: memref<20480x128xf32, #tpu.memory_space<vmem>>, %arg1: memref<10240x128xf32, #tpu.memory_space<vmem>>, %arg2: memref<1x1xf32, #tpu.memory_space<vmem>>, %arg3: memref<128x256xf32, #tpu.memory_space<vmem>>, %arg4: memref<1x256xf32, #tpu.memory_space<vmem>>, %arg5: memref<1x256xf32, #tpu.memory_space<vmem>>, %arg6: memref<1x256xf32, #tpu.memory_space<vmem>>, %arg7: memref<256x128xf32, #tpu.memory_space<vmem>>, %arg8: memref<1x128xf32, #tpu.memory_space<vmem>>, %arg9: memref<1x128xf32, #tpu.memory_space<vmem>>, %arg10: memref<1x128xf32, #tpu.memory_space<vmem>>, %arg11: memref<10240x128xf32, #tpu.memory_space<vmem>>, %arg12: memref<10240x256xf32, #tpu.memory_space<vmem>>) attributes {dimension_semantics = [], scalar_prefetch = 0 : i64, scratch_operands = 1 : i64, tpu.core_type = #tpu.core_type<tc>} {
    %iota3A = tpu.iota {dimensions = array<i32: 0>} : vector<10240x1xi32>
    %lt3A = arith.constant 10000 : i32
    %lt3A_0 = vector.broadcast %lt3A : i32 to vector<10240x1xi32>
    %lt3A_1 = arith.cmpi slt, %iota3A, %lt3A_0 : vector<10240x1xi32>
    %convert_element_type3A = arith.extui %lt3A_1 : vector<10240x1xi1> to vector<10240x1xi32>
    %convert_element_type3A_2 = arith.sitofp %convert_element_type3A : vector<10240x1xi32> to vector<10240x1xf32>
    %get3A = arith.constant 0 : index
    %get3A_3 = arith.constant 0 : index
    %get3A_4 = vector.load %arg2[%get3A, %get3A_3] : memref<1x1xf32, #tpu.memory_space<vmem>>, vector<1x1xf32>
    %get3A_5 = vector.extract %get3A_4[0, 0] : f32 from vector<1x1xf32>
    %add3A = arith.constant 1.000000e+00 : f32
    %add3A_6 = arith.addf %add3A, %get3A_5 : f32
    %get3A_7 = arith.constant 0 : index
    %get3A_8 = arith.constant 0 : index
    %get3A_9 = vector.load %arg3[%get3A_7, %get3A_8] : memref<128x256xf32, #tpu.memory_space<vmem>>, vector<128x256xf32>
    %scan3A = arith.constant 0 : i32
    %scan3A_10 = arith.constant 8 : i32
    %scan3A_11 = arith.addi %scan3A, %scan3A_10 : i32
    %scan3A_12 = arith.constant 1 : i32
    scf.for %scan3A_106 = %scan3A to %scan3A_11 step %scan3A_12  : i32 {
      %mul3A_107 = arith.constant 1280 : i32
      %mul3A_108 = arith.muli %scan3A_106, %mul3A_107 : i32
      %mul3A_109 = arith.constant 1280 : i32
      %mul3A_110 = arith.muli %scan3A_106, %mul3A_109 : i32
      %add3A_111 = arith.constant 10240 : i32
      %add3A_112 = arith.addi %add3A_111, %mul3A_110 : i32
      %get3A_113 = arith.index_cast %mul3A_108 : i32 to index
      %get3A_114 = arith.constant 0 : index
      %get3A_115 = vector.load %arg1[%get3A_113, %get3A_114] : memref<10240x128xf32, #tpu.memory_space<vmem>>, vector<1280x128xf32>
      %mul3A_116 = vector.broadcast %add3A_6 : f32 to vector<1280x128xf32>
      %mul3A_117 = arith.mulf %mul3A_116, %get3A_115 : vector<1280x128xf32>
      %get3A_118 = arith.index_cast %mul3A_108 : i32 to index
      %get3A_119 = arith.constant 0 : index
      %get3A_120 = vector.load %arg0[%get3A_118, %get3A_119] : memref<20480x128xf32, #tpu.memory_space<vmem>>, vector<1280x128xf32>
      %get3A_121 = arith.index_cast %add3A_112 : i32 to index
      %get3A_122 = arith.constant 0 : index
      %get3A_123 = vector.load %arg0[%get3A_121, %get3A_122] : memref<20480x128xf32, #tpu.memory_space<vmem>>, vector<1280x128xf32>
      %add3A_124 = arith.addf %get3A_120, %get3A_123 : vector<1280x128xf32>
      %add3A_125 = arith.addf %mul3A_117, %add3A_124 : vector<1280x128xf32>
      %convert_element_type3A_126 = arith.truncf %add3A_125 : vector<1280x128xf32> to vector<1280x128xbf16>
      %convert_element_type3A_127 = arith.extf %convert_element_type3A_126 : vector<1280x128xbf16> to vector<1280x128xf32>
      %sub3A_128 = arith.subf %add3A_125, %convert_element_type3A_127 : vector<1280x128xf32>
      %convert_element_type3A_129 = arith.truncf %sub3A_128 : vector<1280x128xf32> to vector<1280x128xbf16>
      %convert_element_type3A_130 = arith.extf %convert_element_type3A_129 : vector<1280x128xbf16> to vector<1280x128xf32>
      %sub3A_131 = arith.subf %sub3A_128, %convert_element_type3A_130 : vector<1280x128xf32>
      %convert_element_type3A_132 = arith.truncf %sub3A_131 : vector<1280x128xf32> to vector<1280x128xbf16>
      %convert_element_type3A_133 = arith.truncf %get3A_9 : vector<128x256xf32> to vector<128x256xbf16>
      %convert_element_type3A_134 = arith.extf %convert_element_type3A_133 : vector<128x256xbf16> to vector<128x256xf32>
      %sub3A_135 = arith.subf %get3A_9, %convert_element_type3A_134 : vector<128x256xf32>
      %convert_element_type3A_136 = arith.truncf %sub3A_135 : vector<128x256xf32> to vector<128x256xbf16>
      %convert_element_type3A_137 = arith.extf %convert_element_type3A_136 : vector<128x256xbf16> to vector<128x256xf32>
      %sub3A_138 = arith.subf %sub3A_135, %convert_element_type3A_137 : vector<128x256xf32>
      %convert_element_type3A_139 = arith.truncf %sub3A_138 : vector<128x256xf32> to vector<128x256xbf16>
      %dot_general3A = arith.constant dense<0.000000e+00> : vector<1280x256xf32>
      %dot_general3A_140 = tpu.matmul %convert_element_type3A_126, %convert_element_type3A_133, %dot_general3A {dimension_numbers = #tpu.dot_dimension_numbers<[1], [0], [0], [1], [0, 0, 1, 1], [], []>, transpose_lhs_hint = false} : vector<1280x128xbf16>, vector<128x256xbf16>, vector<1280x256xf32> -> vector<1280x256xf32>
      %dot_general3A_141 = arith.constant dense<0.000000e+00> : vector<1280x256xf32>
      %dot_general3A_142 = tpu.matmul %convert_element_type3A_126, %convert_element_type3A_136, %dot_general3A_141 {dimension_numbers = #tpu.dot_dimension_numbers<[1], [0], [0], [1], [0, 0, 1, 1], [], []>, transpose_lhs_hint = false} : vector<1280x128xbf16>, vector<128x256xbf16>, vector<1280x256xf32> -> vector<1280x256xf32>
      %dot_general3A_143 = arith.constant dense<0.000000e+00> : vector<1280x256xf32>
      %dot_general3A_144 = tpu.matmul %convert_element_type3A_129, %convert_element_type3A_133, %dot_general3A_143 {dimension_numbers = #tpu.dot_dimension_numbers<[1], [0], [0], [1], [0, 0, 1, 1], [], []>, transpose_lhs_hint = false} : vector<1280x128xbf16>, vector<128x256xbf16>, vector<1280x256xf32> -> vector<1280x256xf32>
      %add3A_145 = arith.addf %dot_general3A_142, %dot_general3A_144 : vector<1280x256xf32>
      %add3A_146 = arith.addf %dot_general3A_140, %add3A_145 : vector<1280x256xf32>
      %dot_general3A_147 = arith.constant dense<0.000000e+00> : vector<1280x256xf32>
      %dot_general3A_148 = tpu.matmul %convert_element_type3A_126, %convert_element_type3A_139, %dot_general3A_147 {dimension_numbers = #tpu.dot_dimension_numbers<[1], [0], [0], [1], [0, 0, 1, 1], [], []>, transpose_lhs_hint = false} : vector<1280x128xbf16>, vector<128x256xbf16>, vector<1280x256xf32> -> vector<1280x256xf32>
      %dot_general3A_149 = arith.constant dense<0.000000e+00> : vector<1280x256xf32>
      %dot_general3A_150 = tpu.matmul %convert_element_type3A_129, %convert_element_type3A_136, %dot_general3A_149 {dimension_numbers = #tpu.dot_dimension_numbers<[1], [0], [0], [1], [0, 0, 1, 1], [], []>, transpose_lhs_hint = false} : vector<1280x128xbf16>, vector<128x256xbf16>, vector<1280x256xf32> -> vector<1280x256xf32>
      %add3A_151 = arith.addf %dot_general3A_148, %dot_general3A_150 : vector<1280x256xf32>
      %dot_general3A_152 = arith.constant dense<0.000000e+00> : vector<1280x256xf32>
      %dot_general3A_153 = tpu.matmul %convert_element_type3A_132, %convert_element_type3A_133, %dot_general3A_152 {dimension_numbers = #tpu.dot_dimension_numbers<[1], [0], [0], [1], [0, 0, 1, 1], [], []>, transpose_lhs_hint = false} : vector<1280x128xbf16>, vector<128x256xbf16>, vector<1280x256xf32> -> vector<1280x256xf32>
      %add3A_154 = arith.addf %add3A_151, %dot_general3A_153 : vector<1280x256xf32>
      %add3A_155 = arith.addf %add3A_146, %add3A_154 : vector<1280x256xf32>
      %get3A_156 = arith.constant 0 : index
      %get3A_157 = arith.constant 0 : index
      %get3A_158 = vector.load %arg4[%get3A_156, %get3A_157] : memref<1x256xf32, #tpu.memory_space<vmem>>, vector<1x256xf32>
      %add3A_159 = vector.broadcast %get3A_158 : vector<1x256xf32> to vector<1280x256xf32>
      %add3A_160 = arith.addf %add3A_155, %add3A_159 : vector<1280x256xf32>
      %swap3A_161 = arith.index_cast %mul3A_108 : i32 to index
      %swap3A_162 = arith.constant 0 : index
      %swap3A_163 = vector.load %arg12[%swap3A_161, %swap3A_162] : memref<10240x256xf32, #tpu.memory_space<vmem>>, vector<1280x256xf32>
      tpu.vector_store %arg12[%swap3A_161, %swap3A_162], %add3A_160 {strides = array<i32>} : memref<10240x256xf32, #tpu.memory_space<vmem>>, vector<1280x256xf32>,
    }
    %scan3A_13 = arith.constant 8 : i32
    %get3A_14 = arith.constant 0 : index
    %get3A_15 = arith.constant 0 : index
    %get3A_16 = vector.load %arg12[%get3A_14, %get3A_15] : memref<10240x256xf32, #tpu.memory_space<vmem>>, vector<10240x256xf32>
    %mul3A = vector.broadcast %convert_element_type3A_2 : vector<10240x1xf32> to vector<10240x256xf32>
    %mul3A_17 = arith.mulf %get3A_16, %mul3A : vector<10240x256xf32>
    %reduce_sum3A = arith.constant dense<0.000000e+00> : vector<256xf32>
    %reduce_sum3A_18 = vector.multi_reduction <add>, %mul3A_17, %reduce_sum3A [0] : vector<10240x256xf32> to vector<256xf32>
    %broadcast_in_dim3A = vector.shape_cast %reduce_sum3A_18 : vector<256xf32> to vector<1x256xf32>
    %div3A = arith.constant 1.000000e+04 : f32
    %div3A_19 = vector.broadcast %div3A : f32 to vector<1x256xf32>
    %div3A_20 = arith.divf %broadcast_in_dim3A, %div3A_19 : vector<1x256xf32>
    %sub3A = vector.broadcast %div3A_20 : vector<1x256xf32> to vector<10240x256xf32>
    %sub3A_21 = arith.subf %mul3A_17, %sub3A : vector<10240x256xf32>
    %mul3A_22 = vector.broadcast %convert_element_type3A_2 : vector<10240x1xf32> to vector<10240x256xf32>
    %mul3A_23 = arith.mulf %sub3A_21, %mul3A_22 : vector<10240x256xf32>
    %mul3A_24 = arith.mulf %mul3A_23, %mul3A_23 : vector<10240x256xf32>
    %reduce_sum3A_25 = arith.constant dense<0.000000e+00> : vector<256xf32>
    %reduce_sum3A_26 = vector.multi_reduction <add>, %mul3A_24, %reduce_sum3A_25 [0] : vector<10240x256xf32> to vector<256xf32>
    %broadcast_in_dim3A_27 = vector.shape_cast %reduce_sum3A_26 : vector<256xf32> to vector<1x256xf32>
    %div3A_28 = arith.constant 1.000000e+04 : f32
    %div3A_29 = vector.broadcast %div3A_28 : f32 to vector<1x256xf32>
    %div3A_30 = arith.divf %broadcast_in_dim3A_27, %div3A_29 : vector<1x256xf32>
    %add3A_31 = arith.constant 9.99999974E-6 : f32
    %add3A_32 = vector.broadcast %add3A_31 : f32 to vector<1x256xf32>
    %add3A_33 = arith.addf %div3A_30, %add3A_32 : vector<1x256xf32>
    %sqrt3A = math.sqrt %add3A_33 : vector<1x256xf32>
    %div3A_34 = vector.broadcast %sqrt3A : vector<1x256xf32> to vector<10240x256xf32>
    %div3A_35 = arith.divf %mul3A_23, %div3A_34 : vector<10240x256xf32>
    %get3A_36 = arith.constant 0 : index
    %get3A_37 = arith.constant 0 : index
    %get3A_38 = vector.load %arg5[%get3A_36, %get3A_37] : memref<1x256xf32, #tpu.memory_space<vmem>>, vector<1x256xf32>
    %mul3A_39 = vector.broadcast %get3A_38 : vector<1x256xf32> to vector<10240x256xf32>
    %mul3A_40 = arith.mulf %div3A_35, %mul3A_39 : vector<10240x256xf32>
    %get3A_41 = arith.constant 0 : index
    %get3A_42 = arith.constant 0 : index
    %get3A_43 = vector.load %arg6[%get3A_41, %get3A_42] : memref<1x256xf32, #tpu.memory_space<vmem>>, vector<1x256xf32>
    %add3A_44 = vector.broadcast %get3A_43 : vector<1x256xf32> to vector<10240x256xf32>
    %add3A_45 = arith.addf %mul3A_40, %add3A_44 : vector<10240x256xf32>
    %max3A = arith.constant 0.000000e+00 : f32
    %max3A_46 = vector.broadcast %max3A : f32 to vector<10240x256xf32>
    %max3A_47 = arith.maximumf %add3A_45, %max3A_46 : vector<10240x256xf32>
    %mul3A_48 = vector.broadcast %convert_element_type3A_2 : vector<10240x1xf32> to vector<10240x256xf32>
    %mul3A_49 = arith.mulf %max3A_47, %mul3A_48 : vector<10240x256xf32>
    %swap3A = arith.constant 0 : index
    %swap3A_50 = arith.constant 0 : index
    %swap3A_51 = vector.load %arg12[%swap3A, %swap3A_50] : memref<10240x256xf32, #tpu.memory_space<vmem>>, vector<10240x256xf32>
    tpu.vector_store %arg12[%swap3A, %swap3A_50], %mul3A_49 {strides = array<i32>} : memref<10240x256xf32, #tpu.memory_space<vmem>>, vector<10240x256xf32>,
    %get3A_52 = arith.constant 0 : index
    %get3A_53 = arith.constant 0 : index
    %get3A_54 = vector.load %arg7[%get3A_52, %get3A_53] : memref<256x128xf32, #tpu.memory_space<vmem>>, vector<256x128xf32>
    %scan3A_55 = arith.constant 0 : i32
    %scan3A_56 = arith.constant 8 : i32
    %scan3A_57 = arith.addi %scan3A_55, %scan3A_56 : i32
    %scan3A_58 = arith.constant 1 : i32
    scf.for %scan3A_106 = %scan3A_55 to %scan3A_57 step %scan3A_58  : i32 {
      %mul3A_107 = arith.constant 1280 : i32
      %mul3A_108 = arith.muli %scan3A_106, %mul3A_107 : i32
      %get3A_109 = arith.index_cast %mul3A_108 : i32 to index
      %get3A_110 = arith.constant 0 : index
      %get3A_111 = vector.load %arg12[%get3A_109, %get3A_110] : memref<10240x256xf32, #tpu.memory_space<vmem>>, vector<1280x256xf32>
      %convert_element_type3A_112 = arith.truncf %get3A_111 : vector<1280x256xf32> to vector<1280x256xbf16>
      %convert_element_type3A_113 = arith.extf %convert_element_type3A_112 : vector<1280x256xbf16> to vector<1280x256xf32>
      %sub3A_114 = arith.subf %get3A_111, %convert_element_type3A_113 : vector<1280x256xf32>
      %convert_element_type3A_115 = arith.truncf %sub3A_114 : vector<1280x256xf32> to vector<1280x256xbf16>
      %convert_element_type3A_116 = arith.extf %convert_element_type3A_115 : vector<1280x256xbf16> to vector<1280x256xf32>
      %sub3A_117 = arith.subf %sub3A_114, %convert_element_type3A_116 : vector<1280x256xf32>
      %convert_element_type3A_118 = arith.truncf %sub3A_117 : vector<1280x256xf32> to vector<1280x256xbf16>
      %convert_element_type3A_119 = arith.truncf %get3A_54 : vector<256x128xf32> to vector<256x128xbf16>
      %convert_element_type3A_120 = arith.extf %convert_element_type3A_119 : vector<256x128xbf16> to vector<256x128xf32>
      %sub3A_121 = arith.subf %get3A_54, %convert_element_type3A_120 : vector<256x128xf32>
      %convert_element_type3A_122 = arith.truncf %sub3A_121 : vector<256x128xf32> to vector<256x128xbf16>
      %convert_element_type3A_123 = arith.extf %convert_element_type3A_122 : vector<256x128xbf16> to vector<256x128xf32>
      %sub3A_124 = arith.subf %sub3A_121, %convert_element_type3A_123 : vector<256x128xf32>
      %convert_element_type3A_125 = arith.truncf %sub3A_124 : vector<256x128xf32> to vector<256x128xbf16>
      %dot_general3A = arith.constant dense<0.000000e+00> : vector<1280x128xf32>
      %dot_general3A_126 = tpu.matmul %convert_element_type3A_112, %convert_element_type3A_119, %dot_general3A {dimension_numbers = #tpu.dot_dimension_numbers<[1], [0], [0], [1], [0, 0, 1, 1], [], []>, transpose_lhs_hint = false} : vector<1280x256xbf16>, vector<256x128xbf16>, vector<1280x128xf32> -> vector<1280x128xf32>
      %dot_general3A_127 = arith.constant dense<0.000000e+00> : vector<1280x128xf32>
      %dot_general3A_128 = tpu.matmul %convert_element_type3A_112, %convert_element_type3A_122, %dot_general3A_127 {dimension_numbers = #tpu.dot_dimension_numbers<[1], [0], [0], [1], [0, 0, 1, 1], [], []>, transpose_lhs_hint = false} : vector<1280x256xbf16>, vector<256x128xbf16>, vector<1280x128xf32> -> vector<1280x128xf32>
      %dot_general3A_129 = arith.constant dense<0.000000e+00> : vector<1280x128xf32>
      %dot_general3A_130 = tpu.matmul %convert_element_type3A_115, %convert_element_type3A_119, %dot_general3A_129 {dimension_numbers = #tpu.dot_dimension_numbers<[1], [0], [0], [1], [0, 0, 1, 1], [], []>, transpose_lhs_hint = false} : vector<1280x256xbf16>, vector<256x128xbf16>, vector<1280x128xf32> -> vector<1280x128xf32>
      %add3A_131 = arith.addf %dot_general3A_128, %dot_general3A_130 : vector<1280x128xf32>
      %add3A_132 = arith.addf %dot_general3A_126, %add3A_131 : vector<1280x128xf32>
      %dot_general3A_133 = arith.constant dense<0.000000e+00> : vector<1280x128xf32>
      %dot_general3A_134 = tpu.matmul %convert_element_type3A_112, %convert_element_type3A_125, %dot_general3A_133 {dimension_numbers = #tpu.dot_dimension_numbers<[1], [0], [0], [1], [0, 0, 1, 1], [], []>, transpose_lhs_hint = false} : vector<1280x256xbf16>, vector<256x128xbf16>, vector<1280x128xf32> -> vector<1280x128xf32>
      %dot_general3A_135 = arith.constant dense<0.000000e+00> : vector<1280x128xf32>
      %dot_general3A_136 = tpu.matmul %convert_element_type3A_115, %convert_element_type3A_122, %dot_general3A_135 {dimension_numbers = #tpu.dot_dimension_numbers<[1], [0], [0], [1], [0, 0, 1, 1], [], []>, transpose_lhs_hint = false} : vector<1280x256xbf16>, vector<256x128xbf16>, vector<1280x128xf32> -> vector<1280x128xf32>
      %add3A_137 = arith.addf %dot_general3A_134, %dot_general3A_136 : vector<1280x128xf32>
      %dot_general3A_138 = arith.constant dense<0.000000e+00> : vector<1280x128xf32>
      %dot_general3A_139 = tpu.matmul %convert_element_type3A_118, %convert_element_type3A_119, %dot_general3A_138 {dimension_numbers = #tpu.dot_dimension_numbers<[1], [0], [0], [1], [0, 0, 1, 1], [], []>, transpose_lhs_hint = false} : vector<1280x256xbf16>, vector<256x128xbf16>, vector<1280x128xf32> -> vector<1280x128xf32>
      %add3A_140 = arith.addf %add3A_137, %dot_general3A_139 : vector<1280x128xf32>
      %add3A_141 = arith.addf %add3A_132, %add3A_140 : vector<1280x128xf32>
      %get3A_142 = arith.constant 0 : index
      %get3A_143 = arith.constant 0 : index
      %get3A_144 = vector.load %arg8[%get3A_142, %get3A_143] : memref<1x128xf32, #tpu.memory_space<vmem>>, vector<1x128xf32>
      %add3A_145 = vector.broadcast %get3A_144 : vector<1x128xf32> to vector<1280x128xf32>
      %add3A_146 = arith.addf %add3A_141, %add3A_145 : vector<1280x128xf32>
      %swap3A_147 = arith.index_cast %mul3A_108 : i32 to index
      %swap3A_148 = arith.constant 0 : index
      %swap3A_149 = vector.load %arg11[%swap3A_147, %swap3A_148] : memref<10240x128xf32, #tpu.memory_space<vmem>>, vector<1280x128xf32>
      tpu.vector_store %arg11[%swap3A_147, %swap3A_148], %add3A_146 {strides = array<i32>} : memref<10240x128xf32, #tpu.memory_space<vmem>>, vector<1280x128xf32>,
    }
    %scan3A_59 = arith.constant 8 : i32
    %get3A_60 = arith.constant 0 : index
    %get3A_61 = arith.constant 0 : index
    %get3A_62 = vector.load %arg11[%get3A_60, %get3A_61] : memref<10240x128xf32, #tpu.memory_space<vmem>>, vector<10240x128xf32>
    %mul3A_63 = vector.broadcast %convert_element_type3A_2 : vector<10240x1xf32> to vector<10240x128xf32>
    %mul3A_64 = arith.mulf %get3A_62, %mul3A_63 : vector<10240x128xf32>
    %reduce_sum3A_65 = arith.constant dense<0.000000e+00> : vector<128xf32>
    %reduce_sum3A_66 = vector.multi_reduction <add>, %mul3A_64, %reduce_sum3A_65 [0] : vector<10240x128xf32> to vector<128xf32>
    %broadcast_in_dim3A_67 = vector.shape_cast %reduce_sum3A_66 : vector<128xf32> to vector<1x128xf32>
    %div3A_68 = arith.constant 1.000000e+04 : f32
    %div3A_69 = vector.broadcast %div3A_68 : f32 to vector<1x128xf32>
    %div3A_70 = arith.divf %broadcast_in_dim3A_67, %div3A_69 : vector<1x128xf32>
    %sub3A_71 = vector.broadcast %div3A_70 : vector<1x128xf32> to vector<10240x128xf32>
    %sub3A_72 = arith.subf %mul3A_64, %sub3A_71 : vector<10240x128xf32>
    %mul3A_73 = vector.broadcast %convert_element_type3A_2 : vector<10240x1xf32> to vector<10240x128xf32>
    %mul3A_74 = arith.mulf %sub3A_72, %mul3A_73 : vector<10240x128xf32>
    %mul3A_75 = arith.mulf %mul3A_74, %mul3A_74 : vector<10240x128xf32>
    %reduce_sum3A_76 = arith.constant dense<0.000000e+00> : vector<128xf32>
    %reduce_sum3A_77 = vector.multi_reduction <add>, %mul3A_75, %reduce_sum3A_76 [0] : vector<10240x128xf32> to vector<128xf32>
    %broadcast_in_dim3A_78 = vector.shape_cast %reduce_sum3A_77 : vector<128xf32> to vector<1x128xf32>
    %div3A_79 = arith.constant 1.000000e+04 : f32
    %div3A_80 = vector.broadcast %div3A_79 : f32 to vector<1x128xf32>
    %div3A_81 = arith.divf %broadcast_in_dim3A_78, %div3A_80 : vector<1x128xf32>
    %add3A_82 = arith.constant 9.99999974E-6 : f32
    %add3A_83 = vector.broadcast %add3A_82 : f32 to vector<1x128xf32>
    %add3A_84 = arith.addf %div3A_81, %add3A_83 : vector<1x128xf32>
    %sqrt3A_85 = math.sqrt %add3A_84 : vector<1x128xf32>
    %div3A_86 = vector.broadcast %sqrt3A_85 : vector<1x128xf32> to vector<10240x128xf32>
    %div3A_87 = arith.divf %mul3A_74, %div3A_86 : vector<10240x128xf32>
    %get3A_88 = arith.constant 0 : index
    %get3A_89 = arith.constant 0 : index
    %get3A_90 = vector.load %arg9[%get3A_88, %get3A_89] : memref<1x128xf32, #tpu.memory_space<vmem>>, vector<1x128xf32>
    %mul3A_91 = vector.broadcast %get3A_90 : vector<1x128xf32> to vector<10240x128xf32>
    %mul3A_92 = arith.mulf %div3A_87, %mul3A_91 : vector<10240x128xf32>
    %get3A_93 = arith.constant 0 : index
    %get3A_94 = arith.constant 0 : index
    %get3A_95 = vector.load %arg10[%get3A_93, %get3A_94] : memref<1x128xf32, #tpu.memory_space<vmem>>, vector<1x128xf32>
    %add3A_96 = vector.broadcast %get3A_95 : vector<1x128xf32> to vector<10240x128xf32>
    %add3A_97 = arith.addf %mul3A_92, %add3A_96 : vector<10240x128xf32>
    %max3A_98 = arith.constant 0.000000e+00 : f32
    %max3A_99 = vector.broadcast %max3A_98 : f32 to vector<10240x128xf32>
    %max3A_100 = arith.maximumf %add3A_97, %max3A_99 : vector<10240x128xf32>
    %mul3A_101 = vector.broadcast %convert_element_type3A_2 : vector<10240x1xf32> to vector<10240x128xf32>
    %mul3A_102 = arith.mulf %max3A_100, %mul3A_101 : vector<10240x128xf32>
    %swap3A_103 = arith.constant 0 : index
    %swap3A_104 = arith.constant 0 : index
    %swap3A_105 = vector.load %arg11[%swap3A_103, %swap3A_104] : memref<10240x128xf32, #tpu.memory_space<vmem>>, vector<10240x128xf32>
    tpu.vector_store %arg11[%swap3A_103, %swap3A_104], %mul3A_102 {strides = array<i32>} : memref<10240x128xf32, #tpu.memory_space<vmem>>, vector<10240x128xf32>,
    return
  }
}

module attributes {stable_mosaic.version = 14 : i64} {
  func.func @_score_body(%arg0: memref<20480x128xf32, #tpu.memory_space<vmem>>, %arg1: memref<10240x128xf32, #tpu.memory_space<vmem>>, %arg2: memref<128x1xf32, #tpu.memory_space<vmem>>, %arg3: memref<1x1xf32, #tpu.memory_space<vmem>>, %arg4: memref<128x1xf32, #tpu.memory_space<vmem>>, %arg5: memref<10240x1xf32, #tpu.memory_space<vmem>>) attributes {dimension_semantics = [], scalar_prefetch = 0 : i64, scratch_operands = 0 : i64, tpu.core_type = #tpu.core_type<tc>} {
    %get3A = arith.constant 0 : index
    %get3A_0 = arith.constant 0 : index
    %get3A_1 = vector.load %arg0[%get3A, %get3A_0] : memref<20480x128xf32, #tpu.memory_space<vmem>>, vector<10240x128xf32>
    %get3A_2 = arith.constant 10240 : index
    %get3A_3 = arith.constant 0 : index
    %get3A_4 = vector.load %arg0[%get3A_2, %get3A_3] : memref<20480x128xf32, #tpu.memory_space<vmem>>, vector<10240x128xf32>
    %add3A = arith.addf %get3A_1, %get3A_4 : vector<10240x128xf32>
    %get3A_5 = arith.constant 0 : index
    %get3A_6 = arith.constant 0 : index
    %get3A_7 = vector.load %arg2[%get3A_5, %get3A_6] : memref<128x1xf32, #tpu.memory_space<vmem>>, vector<128x1xf32>
    %convert_element_type3A = arith.truncf %add3A : vector<10240x128xf32> to vector<10240x128xbf16>
    %convert_element_type3A_8 = arith.extf %convert_element_type3A : vector<10240x128xbf16> to vector<10240x128xf32>
    %sub3A = arith.subf %add3A, %convert_element_type3A_8 : vector<10240x128xf32>
    %convert_element_type3A_9 = arith.truncf %sub3A : vector<10240x128xf32> to vector<10240x128xbf16>
    %convert_element_type3A_10 = arith.extf %convert_element_type3A_9 : vector<10240x128xbf16> to vector<10240x128xf32>
    %sub3A_11 = arith.subf %sub3A, %convert_element_type3A_10 : vector<10240x128xf32>
    %convert_element_type3A_12 = arith.truncf %sub3A_11 : vector<10240x128xf32> to vector<10240x128xbf16>
    %convert_element_type3A_13 = arith.truncf %get3A_7 : vector<128x1xf32> to vector<128x1xbf16>
    %convert_element_type3A_14 = arith.extf %convert_element_type3A_13 : vector<128x1xbf16> to vector<128x1xf32>
    %sub3A_15 = arith.subf %get3A_7, %convert_element_type3A_14 : vector<128x1xf32>
    %convert_element_type3A_16 = arith.truncf %sub3A_15 : vector<128x1xf32> to vector<128x1xbf16>
    %convert_element_type3A_17 = arith.extf %convert_element_type3A_16 : vector<128x1xbf16> to vector<128x1xf32>
    %sub3A_18 = arith.subf %sub3A_15, %convert_element_type3A_17 : vector<128x1xf32>
    %convert_element_type3A_19 = arith.truncf %sub3A_18 : vector<128x1xf32> to vector<128x1xbf16>
    %dot_general3A = arith.constant dense<0.000000e+00> : vector<10240x1xf32>
    %dot_general3A_20 = tpu.matmul %convert_element_type3A, %convert_element_type3A_13, %dot_general3A {dimension_numbers = #tpu.dot_dimension_numbers<[1], [0], [0], [1], [0, 0, 1, 1], [], []>, transpose_lhs_hint = false} : vector<10240x128xbf16>, vector<128x1xbf16>, vector<10240x1xf32> -> vector<10240x1xf32>
    %dot_general3A_21 = arith.constant dense<0.000000e+00> : vector<10240x1xf32>
    %dot_general3A_22 = tpu.matmul %convert_element_type3A, %convert_element_type3A_16, %dot_general3A_21 {dimension_numbers = #tpu.dot_dimension_numbers<[1], [0], [0], [1], [0, 0, 1, 1], [], []>, transpose_lhs_hint = false} : vector<10240x128xbf16>, vector<128x1xbf16>, vector<10240x1xf32> -> vector<10240x1xf32>
    %dot_general3A_23 = arith.constant dense<0.000000e+00> : vector<10240x1xf32>
    %dot_general3A_24 = tpu.matmul %convert_element_type3A_9, %convert_element_type3A_13, %dot_general3A_23 {dimension_numbers = #tpu.dot_dimension_numbers<[1], [0], [0], [1], [0, 0, 1, 1], [], []>, transpose_lhs_hint = false} : vector<10240x128xbf16>, vector<128x1xbf16>, vector<10240x1xf32> -> vector<10240x1xf32>
    %add3A_25 = arith.addf %dot_general3A_22, %dot_general3A_24 : vector<10240x1xf32>
    %add3A_26 = arith.addf %dot_general3A_20, %add3A_25 : vector<10240x1xf32>
    %dot_general3A_27 = arith.constant dense<0.000000e+00> : vector<10240x1xf32>
    %dot_general3A_28 = tpu.matmul %convert_element_type3A, %convert_element_type3A_19, %dot_general3A_27 {dimension_numbers = #tpu.dot_dimension_numbers<[1], [0], [0], [1], [0, 0, 1, 1], [], []>, transpose_lhs_hint = false} : vector<10240x128xbf16>, vector<128x1xbf16>, vector<10240x1xf32> -> vector<10240x1xf32>
    %dot_general3A_29 = arith.constant dense<0.000000e+00> : vector<10240x1xf32>
    %dot_general3A_30 = tpu.matmul %convert_element_type3A_9, %convert_element_type3A_16, %dot_general3A_29 {dimension_numbers = #tpu.dot_dimension_numbers<[1], [0], [0], [1], [0, 0, 1, 1], [], []>, transpose_lhs_hint = false} : vector<10240x128xbf16>, vector<128x1xbf16>, vector<10240x1xf32> -> vector<10240x1xf32>
    %add3A_31 = arith.addf %dot_general3A_28, %dot_general3A_30 : vector<10240x1xf32>
    %dot_general3A_32 = arith.constant dense<0.000000e+00> : vector<10240x1xf32>
    %dot_general3A_33 = tpu.matmul %convert_element_type3A_12, %convert_element_type3A_13, %dot_general3A_32 {dimension_numbers = #tpu.dot_dimension_numbers<[1], [0], [0], [1], [0, 0, 1, 1], [], []>, transpose_lhs_hint = false} : vector<10240x128xbf16>, vector<128x1xbf16>, vector<10240x1xf32> -> vector<10240x1xf32>
    %add3A_34 = arith.addf %add3A_31, %dot_general3A_33 : vector<10240x1xf32>
    %add3A_35 = arith.addf %add3A_26, %add3A_34 : vector<10240x1xf32>
    %get3A_36 = arith.constant 0 : index
    %get3A_37 = arith.constant 0 : index
    %get3A_38 = vector.load %arg3[%get3A_36, %get3A_37] : memref<1x1xf32, #tpu.memory_space<vmem>>, vector<1x1xf32>
    %get3A_39 = vector.extract %get3A_38[0, 0] : f32 from vector<1x1xf32>
    %add3A_40 = vector.broadcast %get3A_39 : f32 to vector<10240x1xf32>
    %add3A_41 = arith.addf %add3A_35, %add3A_40 : vector<10240x1xf32>
    %get3A_42 = arith.constant 0 : index
    %get3A_43 = arith.constant 0 : index
    %get3A_44 = vector.load %arg1[%get3A_42, %get3A_43] : memref<10240x128xf32, #tpu.memory_space<vmem>>, vector<10240x128xf32>
    %get3A_45 = arith.constant 0 : index
    %get3A_46 = arith.constant 0 : index
    %get3A_47 = vector.load %arg4[%get3A_45, %get3A_46] : memref<128x1xf32, #tpu.memory_space<vmem>>, vector<128x1xf32>
    %convert_element_type3A_48 = arith.truncf %get3A_44 : vector<10240x128xf32> to vector<10240x128xbf16>
    %convert_element_type3A_49 = arith.extf %convert_element_type3A_48 : vector<10240x128xbf16> to vector<10240x128xf32>
    %sub3A_50 = arith.subf %get3A_44, %convert_element_type3A_49 : vector<10240x128xf32>
    %convert_element_type3A_51 = arith.truncf %sub3A_50 : vector<10240x128xf32> to vector<10240x128xbf16>
    %convert_element_type3A_52 = arith.extf %convert_element_type3A_51 : vector<10240x128xbf16> to vector<10240x128xf32>
    %sub3A_53 = arith.subf %sub3A_50, %convert_element_type3A_52 : vector<10240x128xf32>
    %convert_element_type3A_54 = arith.truncf %sub3A_53 : vector<10240x128xf32> to vector<10240x128xbf16>
    %convert_element_type3A_55 = arith.truncf %get3A_47 : vector<128x1xf32> to vector<128x1xbf16>
    %convert_element_type3A_56 = arith.extf %convert_element_type3A_55 : vector<128x1xbf16> to vector<128x1xf32>
    %sub3A_57 = arith.subf %get3A_47, %convert_element_type3A_56 : vector<128x1xf32>
    %convert_element_type3A_58 = arith.truncf %sub3A_57 : vector<128x1xf32> to vector<128x1xbf16>
    %convert_element_type3A_59 = arith.extf %convert_element_type3A_58 : vector<128x1xbf16> to vector<128x1xf32>
    %sub3A_60 = arith.subf %sub3A_57, %convert_element_type3A_59 : vector<128x1xf32>
    %convert_element_type3A_61 = arith.truncf %sub3A_60 : vector<128x1xf32> to vector<128x1xbf16>
    %dot_general3A_62 = arith.constant dense<0.000000e+00> : vector<10240x1xf32>
    %dot_general3A_63 = tpu.matmul %convert_element_type3A_48, %convert_element_type3A_55, %dot_general3A_62 {dimension_numbers = #tpu.dot_dimension_numbers<[1], [0], [0], [1], [0, 0, 1, 1], [], []>, transpose_lhs_hint = false} : vector<10240x128xbf16>, vector<128x1xbf16>, vector<10240x1xf32> -> vector<10240x1xf32>
    %dot_general3A_64 = arith.constant dense<0.000000e+00> : vector<10240x1xf32>
    %dot_general3A_65 = tpu.matmul %convert_element_type3A_48, %convert_element_type3A_58, %dot_general3A_64 {dimension_numbers = #tpu.dot_dimension_numbers<[1], [0], [0], [1], [0, 0, 1, 1], [], []>, transpose_lhs_hint = false} : vector<10240x128xbf16>, vector<128x1xbf16>, vector<10240x1xf32> -> vector<10240x1xf32>
    %dot_general3A_66 = arith.constant dense<0.000000e+00> : vector<10240x1xf32>
    %dot_general3A_67 = tpu.matmul %convert_element_type3A_51, %convert_element_type3A_55, %dot_general3A_66 {dimension_numbers = #tpu.dot_dimension_numbers<[1], [0], [0], [1], [0, 0, 1, 1], [], []>, transpose_lhs_hint = false} : vector<10240x128xbf16>, vector<128x1xbf16>, vector<10240x1xf32> -> vector<10240x1xf32>
    %add3A_68 = arith.addf %dot_general3A_65, %dot_general3A_67 : vector<10240x1xf32>
    %add3A_69 = arith.addf %dot_general3A_63, %add3A_68 : vector<10240x1xf32>
    %dot_general3A_70 = arith.constant dense<0.000000e+00> : vector<10240x1xf32>
    %dot_general3A_71 = tpu.matmul %convert_element_type3A_48, %convert_element_type3A_61, %dot_general3A_70 {dimension_numbers = #tpu.dot_dimension_numbers<[1], [0], [0], [1], [0, 0, 1, 1], [], []>, transpose_lhs_hint = false} : vector<10240x128xbf16>, vector<128x1xbf16>, vector<10240x1xf32> -> vector<10240x1xf32>
    %dot_general3A_72 = arith.constant dense<0.000000e+00> : vector<10240x1xf32>
    %dot_general3A_73 = tpu.matmul %convert_element_type3A_51, %convert_element_type3A_58, %dot_general3A_72 {dimension_numbers = #tpu.dot_dimension_numbers<[1], [0], [0], [1], [0, 0, 1, 1], [], []>, transpose_lhs_hint = false} : vector<10240x128xbf16>, vector<128x1xbf16>, vector<10240x1xf32> -> vector<10240x1xf32>
    %add3A_74 = arith.addf %dot_general3A_71, %dot_general3A_73 : vector<10240x1xf32>
    %dot_general3A_75 = arith.constant dense<0.000000e+00> : vector<10240x1xf32>
    %dot_general3A_76 = tpu.matmul %convert_element_type3A_54, %convert_element_type3A_55, %dot_general3A_75 {dimension_numbers = #tpu.dot_dimension_numbers<[1], [0], [0], [1], [0, 0, 1, 1], [], []>, transpose_lhs_hint = false} : vector<10240x128xbf16>, vector<128x1xbf16>, vector<10240x1xf32> -> vector<10240x1xf32>
    %add3A_77 = arith.addf %add3A_74, %dot_general3A_76 : vector<10240x1xf32>
    %add3A_78 = arith.addf %add3A_69, %add3A_77 : vector<10240x1xf32>
    %add3A_79 = arith.addf %add3A_41, %add3A_78 : vector<10240x1xf32>
    %tanh3A = math.tanh %add3A_79 : vector<10240x1xf32>
    %swap3A = arith.constant 0 : index
    %swap3A_80 = arith.constant 0 : index
    %swap3A_81 = vector.load %arg5[%swap3A, %swap3A_80] : memref<10240x1xf32, #tpu.memory_space<vmem>>, vector<10240x1xf32>
    tpu.vector_store %arg5[%swap3A, %swap3A_80], %tanh3A {strides = array<i32>} : memref<10240x1xf32, #tpu.memory_space<vmem>>, vector<10240x1xf32>,
    return
  }
}

module attributes {stable_mosaic.version = 14 : i64} {
  func.func @_final_body(%arg0: memref<10240x1xf32, #tpu.memory_space<vmem>>, %arg1: memref<80x128xf32, #tpu.memory_space<vmem>>, %arg2: memref<10240x1xi32, #tpu.memory_space<vmem>>, %arg3: memref<80x128xi32, #tpu.memory_space<vmem>>, %arg4: memref<10240x128xf32, #tpu.memory_space<vmem>>, %arg5: memref<128x128xf32, #tpu.memory_space<vmem>>, %arg6: memref<1x128xf32, #tpu.memory_space<vmem>>, %arg7: memref<1x128xf32, #tpu.memory_space<vmem>>, %arg8: memref<1x128xf32, #tpu.memory_space<vmem>>, %arg9: memref<128x64xf32, #tpu.memory_space<vmem>>, %arg10: memref<1x64xf32, #tpu.memory_space<vmem>>, %arg11: memref<64x128xf32, #tpu.memory_space<vmem>>, %arg12: memref<64x64xf32, #tpu.memory_space<vmem>>) attributes {dimension_semantics = [], scalar_prefetch = 0 : i64, scratch_operands = 0 : i64, tpu.core_type = #tpu.core_type<tc>} {
    %get3A = arith.constant 0 : index
    %get3A_0 = arith.constant 0 : index
    %get3A_1 = vector.load %arg0[%get3A, %get3A_0] : memref<10240x1xf32, #tpu.memory_space<vmem>>, vector<10240x1xf32>
    %get3A_2 = arith.constant 0 : index
    %get3A_3 = arith.constant 0 : index
    %get3A_4 = vector.load %arg2[%get3A_2, %get3A_3] : memref<10240x1xi32, #tpu.memory_space<vmem>>, vector<10240x1xi32>
    %convert_element_type3A = arith.sitofp %get3A_4 : vector<10240x1xi32> to vector<10240x1xf32>
    %mul3A = arith.constant 4.000000e+00 : f32
    %mul3A_5 = vector.broadcast %mul3A : f32 to vector<10240x1xf32>
    %mul3A_6 = arith.mulf %convert_element_type3A, %mul3A_5 : vector<10240x1xf32>
    %sub3A = arith.subf %mul3A_6, %get3A_1 : vector<10240x1xf32>
    %iota3A = tpu.iota {dimensions = array<i32: 0>} : vector<10240x1xi32>
    %iota3A_7 = tpu.iota {dimensions = array<i32: 1>} : vector<1x128xi32>
    %broadcast_in_dim3A = arith.constant 0.000000e+00 : f32
    %broadcast_in_dim3A_8 = vector.broadcast %broadcast_in_dim3A : f32 to vector<10240x1xf32>
    %scan3A = arith.constant 0 : i32
    %scan3A_9 = arith.constant 80 : i32
    %scan3A_10 = arith.addi %scan3A, %scan3A_9 : i32
    %scan3A_11 = arith.constant 1 : i32
    %scan3A_12 = scf.for %scan3A_189 = %scan3A to %scan3A_10 step %scan3A_11 iter_args(%scan3A_190 = %broadcast_in_dim3A_8) -> (vector<10240x1xf32>)  : i32 {
      %get3A_191 = arith.index_cast %scan3A_189 : i32 to index
      %get3A_192 = arith.constant 0 : index
      %get3A_193 = vector.load %arg3[%get3A_191, %get3A_192] : memref<80x128xi32, #tpu.memory_space<vmem>>, vector<1x128xi32>
      %convert_element_type3A_194 = arith.sitofp %get3A_193 : vector<1x128xi32> to vector<1x128xf32>
      %mul3A_195 = arith.constant 4.000000e+00 : f32
      %mul3A_196 = vector.broadcast %mul3A_195 : f32 to vector<1x128xf32>
      %mul3A_197 = arith.mulf %convert_element_type3A_194, %mul3A_196 : vector<1x128xf32>
      %get3A_198 = arith.index_cast %scan3A_189 : i32 to index
      %get3A_199 = arith.constant 0 : index
      %get3A_200 = vector.load %arg1[%get3A_198, %get3A_199] : memref<80x128xf32, #tpu.memory_space<vmem>>, vector<1x128xf32>
      %sub3A_201 = arith.subf %mul3A_197, %get3A_200 : vector<1x128xf32>
      %mul3A_202 = arith.constant 128 : i32
      %mul3A_203 = arith.muli %scan3A_189, %mul3A_202 : i32
      %add3A_204 = vector.broadcast %mul3A_203 : i32 to vector<1x128xi32>
      %add3A_205 = arith.addi %add3A_204, %iota3A_7 : vector<1x128xi32>
      %lt3A_206 = vector.broadcast %sub3A_201 : vector<1x128xf32> to vector<10240x128xf32>
      %lt3A_207 = vector.broadcast %sub3A : vector<10240x1xf32> to vector<10240x128xf32>
      %lt3A_208 = arith.cmpf olt, %lt3A_206, %lt3A_207 : vector<10240x128xf32>
      %eq3A_209 = vector.broadcast %sub3A_201 : vector<1x128xf32> to vector<10240x128xf32>
      %eq3A_210 = vector.broadcast %sub3A : vector<10240x1xf32> to vector<10240x128xf32>
      %eq3A_211 = arith.cmpf oeq, %eq3A_209, %eq3A_210 : vector<10240x128xf32>
      %lt3A_212 = vector.broadcast %add3A_205 : vector<1x128xi32> to vector<10240x128xi32>
      %lt3A_213 = vector.broadcast %iota3A : vector<10240x1xi32> to vector<10240x128xi32>
      %lt3A_214 = arith.cmpi slt, %lt3A_212, %lt3A_213 : vector<10240x128xi32>
      %and3A = arith.andi %eq3A_211, %lt3A_214 : vector<10240x128xi1>
      %or3A = arith.ori %lt3A_208, %and3A : vector<10240x128xi1>
      %jit3A = arith.constant 1.000000e+00 : f32
      %jit3A_215 = arith.constant 0.000000e+00 : f32
      %broadcast_in_dim3A_216 = vector.broadcast %jit3A : f32 to vector<10240x128xf32>
      %broadcast_in_dim3A_217 = vector.broadcast %jit3A_215 : f32 to vector<10240x128xf32>
      %select_n3A = arith.select %or3A, %broadcast_in_dim3A_216, %broadcast_in_dim3A_217 : vector<10240x128xi1>, vector<10240x128xf32>
      %reduce_sum3A_218 = arith.constant dense<0.000000e+00> : vector<10240xf32>
      %reduce_sum3A_219 = vector.multi_reduction <add>, %select_n3A, %reduce_sum3A_218 [1] : vector<10240x128xf32> to vector<10240xf32>
      %broadcast_in_dim3A_220 = vector.shape_cast %reduce_sum3A_219 : vector<10240xf32> to vector<10240x1xf32>
      %add3A_221 = arith.addf %scan3A_190, %broadcast_in_dim3A_220 : vector<10240x1xf32>
      scf.yield %add3A_221 : vector<10240x1xf32>
    }
    %scan3A_13 = arith.constant 80 : i32
    %iota3A_14 = tpu.iota {dimensions = array<i32: 1>} : vector<1x64xi32>
    %eq3A = vector.broadcast %get3A_4 : vector<10240x1xi32> to vector<10240x64xi32>
    %eq3A_15 = vector.broadcast %iota3A_14 : vector<1x64xi32> to vector<10240x64xi32>
    %eq3A_16 = arith.cmpi eq, %eq3A, %eq3A_15 : vector<10240x64xi32>
    %convert_element_type3A_17 = arith.extui %eq3A_16 : vector<10240x64xi1> to vector<10240x64xi32>
    %convert_element_type3A_18 = arith.sitofp %convert_element_type3A_17 : vector<10240x64xi32> to vector<10240x64xf32>
    %reduce_sum3A = arith.constant dense<0.000000e+00> : vector<64xf32>
    %reduce_sum3A_19 = vector.multi_reduction <add>, %convert_element_type3A_18, %reduce_sum3A [0] : vector<10240x64xf32> to vector<64xf32>
    %broadcast_in_dim3A_20 = vector.shape_cast %reduce_sum3A_19 : vector<64xf32> to vector<1x64xf32>
    %add3A = arith.constant 1.000000e+00 : f32
    %add3A_21 = vector.broadcast %add3A : f32 to vector<1x64xf32>
    %add3A_22 = arith.addf %broadcast_in_dim3A_20, %add3A_21 : vector<1x64xf32>
    %mul3A_23 = arith.constant 5.000000e-01 : f32
    %mul3A_24 = vector.broadcast %mul3A_23 : f32 to vector<1x64xf32>
    %mul3A_25 = arith.mulf %add3A_22, %mul3A_24 : vector<1x64xf32>
    %floor3A = math.floor %mul3A_25 : vector<1x64xf32>
    %iota3A_26 = tpu.iota {dimensions = array<i32: 0>} : vector<64x1xi32>
    %lt3A = vector.broadcast %iota3A_26 : vector<64x1xi32> to vector<64x64xi32>
    %lt3A_27 = vector.broadcast %iota3A_14 : vector<1x64xi32> to vector<64x64xi32>
    %lt3A_28 = arith.cmpi slt, %lt3A, %lt3A_27 : vector<64x64xi32>
    %convert_element_type3A_29 = arith.extui %lt3A_28 : vector<64x64xi1> to vector<64x64xi32>
    %convert_element_type3A_30 = arith.sitofp %convert_element_type3A_29 : vector<64x64xi32> to vector<64x64xf32>
    %convert_element_type3A_31 = arith.truncf %broadcast_in_dim3A_20 : vector<1x64xf32> to vector<1x64xbf16>
    %convert_element_type3A_32 = arith.extf %convert_element_type3A_31 : vector<1x64xbf16> to vector<1x64xf32>
    %sub3A_33 = arith.subf %broadcast_in_dim3A_20, %convert_element_type3A_32 : vector<1x64xf32>
    %convert_element_type3A_34 = arith.truncf %sub3A_33 : vector<1x64xf32> to vector<1x64xbf16>
    %convert_element_type3A_35 = arith.truncf %convert_element_type3A_30 : vector<64x64xf32> to vector<64x64xbf16>
    %dot_general3A = arith.constant dense<0.000000e+00> : vector<1x64xf32>
    %dot_general3A_36 = tpu.matmul %convert_element_type3A_31, %convert_element_type3A_35, %dot_general3A {dimension_numbers = #tpu.dot_dimension_numbers<[1], [0], [0], [1], [0, 0, 1, 1], [], []>, transpose_lhs_hint = false} : vector<1x64xbf16>, vector<64x64xbf16>, vector<1x64xf32> -> vector<1x64xf32>
    %dot_general3A_37 = arith.constant dense<0.000000e+00> : vector<1x64xf32>
    %dot_general3A_38 = tpu.matmul %convert_element_type3A_34, %convert_element_type3A_35, %dot_general3A_37 {dimension_numbers = #tpu.dot_dimension_numbers<[1], [0], [0], [1], [0, 0, 1, 1], [], []>, transpose_lhs_hint = false} : vector<1x64xbf16>, vector<64x64xbf16>, vector<1x64xf32> -> vector<1x64xf32>
    %add3A_39 = arith.addf %dot_general3A_36, %dot_general3A_38 : vector<1x64xf32>
    %add3A_40 = arith.addf %add3A_39, %floor3A : vector<1x64xf32>
    %reshape3A = vector.shape_cast %add3A_40 : vector<1x64xf32> to vector<64x1xf32>
    %convert_element_type3A_41 = arith.truncf %reshape3A : vector<64x1xf32> to vector<64x1xbf16>
    %convert_element_type3A_42 = arith.extf %convert_element_type3A_41 : vector<64x1xbf16> to vector<64x1xf32>
    %sub3A_43 = arith.subf %reshape3A, %convert_element_type3A_42 : vector<64x1xf32>
    %convert_element_type3A_44 = arith.truncf %sub3A_43 : vector<64x1xf32> to vector<64x1xbf16>
    %convert_element_type3A_45 = arith.truncf %convert_element_type3A_18 : vector<10240x64xf32> to vector<10240x64xbf16>
    %dot_general3A_46 = arith.constant dense<0.000000e+00> : vector<10240x1xf32>
    %dot_general3A_47 = tpu.matmul %convert_element_type3A_45, %convert_element_type3A_41, %dot_general3A_46 {dimension_numbers = #tpu.dot_dimension_numbers<[1], [0], [0], [1], [0, 0, 1, 1], [], []>, transpose_lhs_hint = false} : vector<10240x64xbf16>, vector<64x1xbf16>, vector<10240x1xf32> -> vector<10240x1xf32>
    %dot_general3A_48 = arith.constant dense<0.000000e+00> : vector<10240x1xf32>
    %dot_general3A_49 = tpu.matmul %convert_element_type3A_45, %convert_element_type3A_44, %dot_general3A_48 {dimension_numbers = #tpu.dot_dimension_numbers<[1], [0], [0], [1], [0, 0, 1, 1], [], []>, transpose_lhs_hint = false} : vector<10240x64xbf16>, vector<64x1xbf16>, vector<10240x1xf32> -> vector<10240x1xf32>
    %add3A_50 = arith.addf %dot_general3A_47, %dot_general3A_49 : vector<10240x1xf32>
    %lt3A_51 = arith.cmpf olt, %scan3A_12, %add3A_50 : vector<10240x1xf32>
    %convert_element_type3A_52 = arith.extui %lt3A_51 : vector<10240x1xi1> to vector<10240x1xi32>
    %convert_element_type3A_53 = arith.sitofp %convert_element_type3A_52 : vector<10240x1xi32> to vector<10240x1xf32>
    %get3A_54 = arith.constant 0 : index
    %get3A_55 = arith.constant 0 : index
    %get3A_56 = vector.load %arg4[%get3A_54, %get3A_55] : memref<10240x128xf32, #tpu.memory_space<vmem>>, vector<10240x128xf32>
    %mul3A_57 = arith.mulf %get3A_1, %convert_element_type3A_53 : vector<10240x1xf32>
    %mul3A_58 = vector.broadcast %mul3A_57 : vector<10240x1xf32> to vector<10240x128xf32>
    %mul3A_59 = arith.mulf %get3A_56, %mul3A_58 : vector<10240x128xf32>
    %convert_element_type3A_60 = arith.truncf %mul3A_59 : vector<10240x128xf32> to vector<10240x128xbf16>
    %convert_element_type3A_61 = arith.extf %convert_element_type3A_60 : vector<10240x128xbf16> to vector<10240x128xf32>
    %sub3A_62 = arith.subf %mul3A_59, %convert_element_type3A_61 : vector<10240x128xf32>
    %convert_element_type3A_63 = arith.truncf %sub3A_62 : vector<10240x128xf32> to vector<10240x128xbf16>
    %convert_element_type3A_64 = arith.extf %convert_element_type3A_63 : vector<10240x128xbf16> to vector<10240x128xf32>
    %sub3A_65 = arith.subf %sub3A_62, %convert_element_type3A_64 : vector<10240x128xf32>
    %convert_element_type3A_66 = arith.truncf %sub3A_65 : vector<10240x128xf32> to vector<10240x128xbf16>
    %dot_general3A_67 = arith.constant dense<0.000000e+00> : vector<64x128xf32>
    %dot_general3A_68 = tpu.matmul %convert_element_type3A_45, %convert_element_type3A_60, %dot_general3A_67 {dimension_numbers = #tpu.dot_dimension_numbers<[0], [0], [1], [1], [0, 1, 1, 1], [], []>, transpose_lhs_hint = false} : vector<10240x64xbf16>, vector<10240x128xbf16>, vector<64x128xf32> -> vector<64x128xf32>
    %dot_general3A_69 = arith.constant dense<0.000000e+00> : vector<64x128xf32>
    %dot_general3A_70 = tpu.matmul %convert_element_type3A_45, %convert_element_type3A_63, %dot_general3A_69 {dimension_numbers = #tpu.dot_dimension_numbers<[0], [0], [1], [1], [0, 1, 1, 1], [], []>, transpose_lhs_hint = false} : vector<10240x64xbf16>, vector<10240x128xbf16>, vector<64x128xf32> -> vector<64x128xf32>
    %add3A_71 = arith.addf %dot_general3A_68, %dot_general3A_70 : vector<64x128xf32>
    %dot_general3A_72 = arith.constant dense<0.000000e+00> : vector<64x128xf32>
    %dot_general3A_73 = tpu.matmul %convert_element_type3A_45, %convert_element_type3A_66, %dot_general3A_72 {dimension_numbers = #tpu.dot_dimension_numbers<[0], [0], [1], [1], [0, 1, 1, 1], [], []>, transpose_lhs_hint = false} : vector<10240x64xbf16>, vector<10240x128xbf16>, vector<64x128xf32> -> vector<64x128xf32>
    %add3A_74 = arith.addf %add3A_71, %dot_general3A_73 : vector<64x128xf32>
    %swap3A = arith.constant 0 : index
    %swap3A_75 = arith.constant 0 : index
    %swap3A_76 = vector.load %arg11[%swap3A, %swap3A_75] : memref<64x128xf32, #tpu.memory_space<vmem>>, vector<64x128xf32>
    tpu.vector_store %arg11[%swap3A, %swap3A_75], %add3A_74 {strides = array<i32>} : memref<64x128xf32, #tpu.memory_space<vmem>>, vector<64x128xf32>,
    %get3A_77 = arith.constant 0 : index
    %get3A_78 = arith.constant 0 : index
    %get3A_79 = vector.load %arg5[%get3A_77, %get3A_78] : memref<128x128xf32, #tpu.memory_space<vmem>>, vector<128x128xf32>
    %convert_element_type3A_80 = arith.truncf %add3A_74 : vector<64x128xf32> to vector<64x128xbf16>
    %convert_element_type3A_81 = arith.extf %convert_element_type3A_80 : vector<64x128xbf16> to vector<64x128xf32>
    %sub3A_82 = arith.subf %add3A_74, %convert_element_type3A_81 : vector<64x128xf32>
    %convert_element_type3A_83 = arith.truncf %sub3A_82 : vector<64x128xf32> to vector<64x128xbf16>
    %convert_element_type3A_84 = arith.extf %convert_element_type3A_83 : vector<64x128xbf16> to vector<64x128xf32>
    %sub3A_85 = arith.subf %sub3A_82, %convert_element_type3A_84 : vector<64x128xf32>
    %convert_element_type3A_86 = arith.truncf %sub3A_85 : vector<64x128xf32> to vector<64x128xbf16>
    %convert_element_type3A_87 = arith.truncf %get3A_79 : vector<128x128xf32> to vector<128x128xbf16>
    %convert_element_type3A_88 = arith.extf %convert_element_type3A_87 : vector<128x128xbf16> to vector<128x128xf32>
    %sub3A_89 = arith.subf %get3A_79, %convert_element_type3A_88 : vector<128x128xf32>
    %convert_element_type3A_90 = arith.truncf %sub3A_89 : vector<128x128xf32> to vector<128x128xbf16>
    %convert_element_type3A_91 = arith.extf %convert_element_type3A_90 : vector<128x128xbf16> to vector<128x128xf32>
    %sub3A_92 = arith.subf %sub3A_89, %convert_element_type3A_91 : vector<128x128xf32>
    %convert_element_type3A_93 = arith.truncf %sub3A_92 : vector<128x128xf32> to vector<128x128xbf16>
    %dot_general3A_94 = arith.constant dense<0.000000e+00> : vector<64x128xf32>
    %dot_general3A_95 = tpu.matmul %convert_element_type3A_80, %convert_element_type3A_87, %dot_general3A_94 {dimension_numbers = #tpu.dot_dimension_numbers<[1], [0], [0], [1], [0, 0, 1, 1], [], []>, transpose_lhs_hint = false} : vector<64x128xbf16>, vector<128x128xbf16>, vector<64x128xf32> -> vector<64x128xf32>
    %dot_general3A_96 = arith.constant dense<0.000000e+00> : vector<64x128xf32>
    %dot_general3A_97 = tpu.matmul %convert_element_type3A_80, %convert_element_type3A_90, %dot_general3A_96 {dimension_numbers = #tpu.dot_dimension_numbers<[1], [0], [0], [1], [0, 0, 1, 1], [], []>, transpose_lhs_hint = false} : vector<64x128xbf16>, vector<128x128xbf16>, vector<64x128xf32> -> vector<64x128xf32>
    %dot_general3A_98 = arith.constant dense<0.000000e+00> : vector<64x128xf32>
    %dot_general3A_99 = tpu.matmul %convert_element_type3A_83, %convert_element_type3A_87, %dot_general3A_98 {dimension_numbers = #tpu.dot_dimension_numbers<[1], [0], [0], [1], [0, 0, 1, 1], [], []>, transpose_lhs_hint = false} : vector<64x128xbf16>, vector<128x128xbf16>, vector<64x128xf32> -> vector<64x128xf32>
    %add3A_100 = arith.addf %dot_general3A_97, %dot_general3A_99 : vector<64x128xf32>
    %add3A_101 = arith.addf %dot_general3A_95, %add3A_100 : vector<64x128xf32>
    %dot_general3A_102 = arith.constant dense<0.000000e+00> : vector<64x128xf32>
    %dot_general3A_103 = tpu.matmul %convert_element_type3A_80, %convert_element_type3A_93, %dot_general3A_102 {dimension_numbers = #tpu.dot_dimension_numbers<[1], [0], [0], [1], [0, 0, 1, 1], [], []>, transpose_lhs_hint = false} : vector<64x128xbf16>, vector<128x128xbf16>, vector<64x128xf32> -> vector<64x128xf32>
    %dot_general3A_104 = arith.constant dense<0.000000e+00> : vector<64x128xf32>
    %dot_general3A_105 = tpu.matmul %convert_element_type3A_83, %convert_element_type3A_90, %dot_general3A_104 {dimension_numbers = #tpu.dot_dimension_numbers<[1], [0], [0], [1], [0, 0, 1, 1], [], []>, transpose_lhs_hint = false} : vector<64x128xbf16>, vector<128x128xbf16>, vector<64x128xf32> -> vector<64x128xf32>
    %add3A_106 = arith.addf %dot_general3A_103, %dot_general3A_105 : vector<64x128xf32>
    %dot_general3A_107 = arith.constant dense<0.000000e+00> : vector<64x128xf32>
    %dot_general3A_108 = tpu.matmul %convert_element_type3A_86, %convert_element_type3A_87, %dot_general3A_107 {dimension_numbers = #tpu.dot_dimension_numbers<[1], [0], [0], [1], [0, 0, 1, 1], [], []>, transpose_lhs_hint = false} : vector<64x128xbf16>, vector<128x128xbf16>, vector<64x128xf32> -> vector<64x128xf32>
    %add3A_109 = arith.addf %add3A_106, %dot_general3A_108 : vector<64x128xf32>
    %add3A_110 = arith.addf %add3A_101, %add3A_109 : vector<64x128xf32>
    %get3A_111 = arith.constant 0 : index
    %get3A_112 = arith.constant 0 : index
    %get3A_113 = vector.load %arg6[%get3A_111, %get3A_112] : memref<1x128xf32, #tpu.memory_space<vmem>>, vector<1x128xf32>
    %add3A_114 = vector.broadcast %get3A_113 : vector<1x128xf32> to vector<64x128xf32>
    %add3A_115 = arith.addf %add3A_110, %add3A_114 : vector<64x128xf32>
    %reduce_sum3A_116 = arith.constant dense<0.000000e+00> : vector<128xf32>
    %reduce_sum3A_117 = vector.multi_reduction <add>, %add3A_115, %reduce_sum3A_116 [0] : vector<64x128xf32> to vector<128xf32>
    %broadcast_in_dim3A_118 = vector.shape_cast %reduce_sum3A_117 : vector<128xf32> to vector<1x128xf32>
    %div3A = arith.constant 6.400000e+01 : f32
    %div3A_119 = vector.broadcast %div3A : f32 to vector<1x128xf32>
    %div3A_120 = arith.divf %broadcast_in_dim3A_118, %div3A_119 : vector<1x128xf32>
    %sub3A_121 = vector.broadcast %div3A_120 : vector<1x128xf32> to vector<64x128xf32>
    %sub3A_122 = arith.subf %add3A_115, %sub3A_121 : vector<64x128xf32>
    %mul3A_123 = arith.mulf %sub3A_122, %sub3A_122 : vector<64x128xf32>
    %reduce_sum3A_124 = arith.constant dense<0.000000e+00> : vector<128xf32>
    %reduce_sum3A_125 = vector.multi_reduction <add>, %mul3A_123, %reduce_sum3A_124 [0] : vector<64x128xf32> to vector<128xf32>
    %broadcast_in_dim3A_126 = vector.shape_cast %reduce_sum3A_125 : vector<128xf32> to vector<1x128xf32>
    %div3A_127 = arith.constant 6.400000e+01 : f32
    %div3A_128 = vector.broadcast %div3A_127 : f32 to vector<1x128xf32>
    %div3A_129 = arith.divf %broadcast_in_dim3A_126, %div3A_128 : vector<1x128xf32>
    %add3A_130 = arith.constant 9.99999974E-6 : f32
    %add3A_131 = vector.broadcast %add3A_130 : f32 to vector<1x128xf32>
    %add3A_132 = arith.addf %div3A_129, %add3A_131 : vector<1x128xf32>
    %sqrt3A = math.sqrt %add3A_132 : vector<1x128xf32>
    %div3A_133 = vector.broadcast %sqrt3A : vector<1x128xf32> to vector<64x128xf32>
    %div3A_134 = arith.divf %sub3A_122, %div3A_133 : vector<64x128xf32>
    %get3A_135 = arith.constant 0 : index
    %get3A_136 = arith.constant 0 : index
    %get3A_137 = vector.load %arg7[%get3A_135, %get3A_136] : memref<1x128xf32, #tpu.memory_space<vmem>>, vector<1x128xf32>
    %mul3A_138 = vector.broadcast %get3A_137 : vector<1x128xf32> to vector<64x128xf32>
    %mul3A_139 = arith.mulf %div3A_134, %mul3A_138 : vector<64x128xf32>
    %get3A_140 = arith.constant 0 : index
    %get3A_141 = arith.constant 0 : index
    %get3A_142 = vector.load %arg8[%get3A_140, %get3A_141] : memref<1x128xf32, #tpu.memory_space<vmem>>, vector<1x128xf32>
    %add3A_143 = vector.broadcast %get3A_142 : vector<1x128xf32> to vector<64x128xf32>
    %add3A_144 = arith.addf %mul3A_139, %add3A_143 : vector<64x128xf32>
    %max3A = arith.constant 0.000000e+00 : f32
    %max3A_145 = vector.broadcast %max3A : f32 to vector<64x128xf32>
    %max3A_146 = arith.maximumf %add3A_144, %max3A_145 : vector<64x128xf32>
    %get3A_147 = arith.constant 0 : index
    %get3A_148 = arith.constant 0 : index
    %get3A_149 = vector.load %arg9[%get3A_147, %get3A_148] : memref<128x64xf32, #tpu.memory_space<vmem>>, vector<128x64xf32>
    %convert_element_type3A_150 = arith.truncf %max3A_146 : vector<64x128xf32> to vector<64x128xbf16>
    %convert_element_type3A_151 = arith.extf %convert_element_type3A_150 : vector<64x128xbf16> to vector<64x128xf32>
    %sub3A_152 = arith.subf %max3A_146, %convert_element_type3A_151 : vector<64x128xf32>
    %convert_element_type3A_153 = arith.truncf %sub3A_152 : vector<64x128xf32> to vector<64x128xbf16>
    %convert_element_type3A_154 = arith.extf %convert_element_type3A_153 : vector<64x128xbf16> to vector<64x128xf32>
    %sub3A_155 = arith.subf %sub3A_152, %convert_element_type3A_154 : vector<64x128xf32>
    %convert_element_type3A_156 = arith.truncf %sub3A_155 : vector<64x128xf32> to vector<64x128xbf16>
    %convert_element_type3A_157 = arith.truncf %get3A_149 : vector<128x64xf32> to vector<128x64xbf16>
    %convert_element_type3A_158 = arith.extf %convert_element_type3A_157 : vector<128x64xbf16> to vector<128x64xf32>
    %sub3A_159 = arith.subf %get3A_149, %convert_element_type3A_158 : vector<128x64xf32>
    %convert_element_type3A_160 = arith.truncf %sub3A_159 : vector<128x64xf32> to vector<128x64xbf16>
    %convert_element_type3A_161 = arith.extf %convert_element_type3A_160 : vector<128x64xbf16> to vector<128x64xf32>
    %sub3A_162 = arith.subf %sub3A_159, %convert_element_type3A_161 : vector<128x64xf32>
    %convert_element_type3A_163 = arith.truncf %sub3A_162 : vector<128x64xf32> to vector<128x64xbf16>
    %dot_general3A_164 = arith.constant dense<0.000000e+00> : vector<64x64xf32>
    %dot_general3A_165 = tpu.matmul %convert_element_type3A_150, %convert_element_type3A_157, %dot_general3A_164 {dimension_numbers = #tpu.dot_dimension_numbers<[1], [0], [0], [1], [0, 0, 1, 1], [], []>, transpose_lhs_hint = false} : vector<64x128xbf16>, vector<128x64xbf16>, vector<64x64xf32> -> vector<64x64xf32>
    %dot_general3A_166 = arith.constant dense<0.000000e+00> : vector<64x64xf32>
    %dot_general3A_167 = tpu.matmul %convert_element_type3A_150, %convert_element_type3A_160, %dot_general3A_166 {dimension_numbers = #tpu.dot_dimension_numbers<[1], [0], [0], [1], [0, 0, 1, 1], [], []>, transpose_lhs_hint = false} : vector<64x128xbf16>, vector<128x64xbf16>, vector<64x64xf32> -> vector<64x64xf32>
    %dot_general3A_168 = arith.constant dense<0.000000e+00> : vector<64x64xf32>
    %dot_general3A_169 = tpu.matmul %convert_element_type3A_153, %convert_element_type3A_157, %dot_general3A_168 {dimension_numbers = #tpu.dot_dimension_numbers<[1], [0], [0], [1], [0, 0, 1, 1], [], []>, transpose_lhs_hint = false} : vector<64x128xbf16>, vector<128x64xbf16>, vector<64x64xf32> -> vector<64x64xf32>
    %add3A_170 = arith.addf %dot_general3A_167, %dot_general3A_169 : vector<64x64xf32>
    %add3A_171 = arith.addf %dot_general3A_165, %add3A_170 : vector<64x64xf32>
    %dot_general3A_172 = arith.constant dense<0.000000e+00> : vector<64x64xf32>
    %dot_general3A_173 = tpu.matmul %convert_element_type3A_150, %convert_element_type3A_163, %dot_general3A_172 {dimension_numbers = #tpu.dot_dimension_numbers<[1], [0], [0], [1], [0, 0, 1, 1], [], []>, transpose_lhs_hint = false} : vector<64x128xbf16>, vector<128x64xbf16>, vector<64x64xf32> -> vector<64x64xf32>
    %dot_general3A_174 = arith.constant dense<0.000000e+00> : vector<64x64xf32>
    %dot_general3A_175 = tpu.matmul %convert_element_type3A_153, %convert_element_type3A_160, %dot_general3A_174 {dimension_numbers = #tpu.dot_dimension_numbers<[1], [0], [0], [1], [0, 0, 1, 1], [], []>, transpose_lhs_hint = false} : vector<64x128xbf16>, vector<128x64xbf16>, vector<64x64xf32> -> vector<64x64xf32>
    %add3A_176 = arith.addf %dot_general3A_173, %dot_general3A_175 : vector<64x64xf32>
    %dot_general3A_177 = arith.constant dense<0.000000e+00> : vector<64x64xf32>
    %dot_general3A_178 = tpu.matmul %convert_element_type3A_156, %convert_element_type3A_157, %dot_general3A_177 {dimension_numbers = #tpu.dot_dimension_numbers<[1], [0], [0], [1], [0, 0, 1, 1], [], []>, transpose_lhs_hint = false} : vector<64x128xbf16>, vector<128x64xbf16>, vector<64x64xf32> -> vector<64x64xf32>
    %add3A_179 = arith.addf %add3A_176, %dot_general3A_178 : vector<64x64xf32>
    %add3A_180 = arith.addf %add3A_171, %add3A_179 : vector<64x64xf32>
    %get3A_181 = arith.constant 0 : index
    %get3A_182 = arith.constant 0 : index
    %get3A_183 = vector.load %arg10[%get3A_181, %get3A_182] : memref<1x64xf32, #tpu.memory_space<vmem>>, vector<1x64xf32>
    %add3A_184 = vector.broadcast %get3A_183 : vector<1x64xf32> to vector<64x64xf32>
    %add3A_185 = arith.addf %add3A_180, %add3A_184 : vector<64x64xf32>
    %swap3A_186 = arith.constant 0 : index
    %swap3A_187 = arith.constant 0 : index
    %swap3A_188 = vector.load %arg12[%swap3A_186, %swap3A_187] : memref<64x64xf32, #tpu.memory_space<vmem>>, vector<64x64xf32>
    tpu.vector_store %arg12[%swap3A_186, %swap3A_187], %add3A_185 {strides = array<i32>} : memref<64x64xf32, #tpu.memory_space<vmem>>, vector<64x64xf32>,
    return
  }
}

</mosaic_0001>

<sc_bundles>
// kernel: kernel.12.cloned.1.call-start
scs
__scs_entry_jumppad:
0x0: {  	(pc) =	sbr.rel $0x88, $3  }
0x1: {  	(tag) =	ssettag $0x0;
	lr =	simm.s32 $0x1  }
0x2: {  	[smem:$0x3F83] =	sst lr;
	_ =	strace $0xD0000000  }
0x3: {  	_ = 	snop  }
0x4: {  	_ = 	snop  }
0x5: {  	_ = 	snop  }
0x6: {  	_ = 	snop  }
0x7: {  	_ = 	snop  }
__scs_overlays_trampoline_lowered:
0x8: {  	[smem:$0x3F92] =	sst s0  }
0x9: {  	[smem:$0x3F93] =	sst s1  }
0xa: {  	[smem:$0x3F94] =	sst s2  }
0xb: {  	[smem:$0x3F95] =	sst s3  }
0xc: {  	[smem:$0x3F96] =	sst s4  }
0xd: {  	[smem:$0x3F97] =	sst s5  }
0xe: {  	[smem:$0x3F98] =	sst s6  }
0xf: {  	[smem:$0x3F99] =	sst s7  }
0x10: {  	[smem:$0x3F9A] =	sst s8  }
0x11: {  	[smem:$0x3F9B] =	sst s9;
	s0 =	simm.s32 @!p0 $0x0  }
0x12: {  	s1 =	sld [smem:$0x3F81];
	s0 =	simm.s32 @p0 $0x1  }
0x13: {  	[smem:$0x3F9C] =	sst s0;
	s0 =	simm.s32 @!p1 $0x0  }
0x14: {  	s2 =	sld [smem:$0x3F80];
	s0 =	simm.s32 @p1 $0x1  }
0x15: {  	[smem:$0x3F9D] =	sst s0;
	s0 =	simm.s32 @!p2 $0x0  }
0x16: {  	s3 =	sld [smem:$0x3FDB];
	s0 =	simm.s32 @p2 $0x1  }
0x17: {  	s4 =	simm.s32 $0x1BF5;
	[smem:$0x3F9F] =	sst s0  }
0x18: {  	s0 =	sld [smem:$0x3F82];
	_ =	swait.ge [sflag:s4], $0x0  }
0x19: {  	s7 =	sld [smem:$0x3F83]  }
0x1a: {  	s8 =	sadd.s32 $0xFFFFE003, lr  }
0x1b: {  	s9 =	sadd.s32 $0xFFFFFEF7, lr;
	s5 =	simm.s32 $0xFFFFFFFF;
	p2 =	slt.u32 s8, $0xFFFFF086  }
0x1c: {  	p1 =	slt.u32 s9, $0xF7A;
	s5 =	simm.s32 @!p2 $0x0  }
0x1d: {  	s5 =	simm.s32 @p1 $0x1;
	p0 =	seq.s32 s7, s2  }
0x1e: {  	s7 =	smul.u32 @!p0 $0xF7A, s2;
	p2 =	seq.s32 @!p0 s5, $0x0  }
0x1f: {  	s9 =	smul.u32 $0xF7A, s1;
	s8 =	simm.s32 @!p0 $0x1BF5;
	p2 =	por !p2, p0  }
0x20: {  	[sflag:s8] =	ssyncset.s32 @!p0 $0xFFFFF086;
	s6 =	sadd.s32 @!p0 s3, s7;
	s7 =	simm.s32 @!p0 $0x108  }
0x21: {  	s3 =	sadd.s32 s3, s9;
	s6 =	sadd.s32 @!p0 $0x88, s6;
	s7 =	simm.s32 @p2 $0x1082  }
0x22: {  	[simem:s7], [sflag:s8] =	dma.local @!p0 [hbm:s6], $0xF7A  }
0x23: {  	s9 =	sor.u32 $0xD0000000, s2;
	s6 =	simm.s32 $0x108;
	_ =	swait.ge @!p0 [sflag:s8], $0x0  }
0x24: {  	s3 =	sadd.s32 $0x88, s3;
	s6 =	simm.s32 @!p1 $0x1082;
	[sflag:s4] =	ssyncset.s32 $0xFFFFF086  }
0x25: {  	[simem:s6], [sflag:s4] =	dma.local [hbm:s3], $0xF7A  }
0x26: {  	[smem:$0x3F83] =	sst s1;
	(tag) =	ssettag s2;
	_ =	strace s9  }
0x27: {  	s1 =	sld [smem:$0x3F93]  }
0x28: {  	s2 =	sld [smem:$0x3F94]  }
0x29: {  	s4 =	sld [smem:$0x3F96]  }
0x2a: {  	p0 =	seq.s32 s5, $0x0;
	s5 =	sld [smem:$0x3F97]  }
0x2b: {  	s6 =	sld [smem:$0x3F98]  }
0x2c: {  	s7 =	sld [smem:$0x3F99]  }
0x2d: {  	s3 =	simm.s32 $0x108;
	s8 =	sld [smem:$0x3F9A]  }
0x2e: {  	s3 =	simm.s32 @!p0 $0x1082;
	s9 =	sld [smem:$0x3F9B]  }
0x2f: {  	lr =	sadd.s32 s0, s3;
	s0 =	sld [smem:$0x3F92]  }
0x30: {  	s3 =	sld [smem:$0x3F95]  }
0x31: {  	[smem:$0x3F9E] =	sst s10  }
0x32: {  	s10 =	sld [smem:$0x3F9C];
	_ =	sdelay $0x3  }
0x33: {  	p0 =	seq.s32 s10, $0x1;
	s10 =	sld [smem:$0x3F9E];
	_ =	sdelay $0x3  }
0x34: {  	[smem:$0x3F9E] =	sst s10  }
0x35: {  	s10 =	sld [smem:$0x3F9D];
	_ =	sdelay $0x3  }
0x36: {  	p1 =	seq.s32 s10, $0x1;
	s10 =	sld [smem:$0x3F9E];
	_ =	sdelay $0x3  }
0x37: {  	[smem:$0x3F9E] =	sst s10  }
0x38: {  	s10 =	sld [smem:$0x3F9F]  }
0x39: {  	_ = 	snop;
	(pc) =	sbr.ind lr, $3  }
0x3a: {  	_ = 	snop  }
0x3b: {  	_ = 	snop  }
0x3c: {  	p2 =	seq.s32 s10, $0x1;
	s10 =	sld [smem:$0x3F9E]  }
0x3d: {  	_ =	shalt  }
0x3e: {  	_ =	shalt  }
0x3f: {  	_ =	shalt  }
0x40: {  	_ =	shalt  }
0x41: {  	_ =	shalt  }
0x42: {  	_ =	shalt  }
0x43: {  	_ =	shalt  }
0x44: {  	_ =	shalt  }
0x45: {  	_ =	shalt  }
0x46: {  	_ =	shalt  }
0x47: {  	_ =	shalt  }
0x48: {  	_ =	shalt  }
0x49: {  	_ =	shalt  }
0x4a: {  	_ =	shalt  }
0x4b: {  	_ =	shalt  }
0x4c: {  	_ =	shalt  }
0x4d: {  	_ =	shalt  }
0x4e: {  	_ =	shalt  }
0x4f: {  	_ =	shalt  }
0x50: {  	_ =	shalt  }
0x51: {  	_ =	shalt  }
0x52: {  	_ =	shalt  }
0x53: {  	_ =	shalt  }
0x54: {  	_ =	shalt  }
0x55: {  	_ =	shalt  }
0x56: {  	_ =	shalt  }
0x57: {  	_ =	shalt  }
0x58: {  	_ =	shalt  }
0x59: {  	_ =	shalt  }
0x5a: {  	_ =	shalt  }
0x5b: {  	_ =	shalt  }
0x5c: {  	_ =	shalt  }
0x5d: {  	_ =	shalt  }
0x5e: {  	_ =	shalt  }
0x5f: {  	_ =	shalt  }
0x60: {  	_ =	shalt  }
0x61: {  	_ =	shalt  }
0x62: {  	_ =	shalt  }
0x63: {  	_ =	shalt  }
0x64: {  	_ =	shalt  }
0x65: {  	_ =	shalt  }
0x66: {  	_ =	shalt  }
0x67: {  	_ =	shalt  }
0x68: {  	_ =	shalt  }
0x69: {  	_ =	shalt  }
0x6a: {  	_ =	shalt  }
0x6b: {  	_ =	shalt  }
0x6c: {  	_ =	shalt  }
0x6d: {  	_ =	shalt  }
0x6e: {  	_ =	shalt  }
0x6f: {  	_ =	shalt  }
0x70: {  	_ =	shalt  }
0x71: {  	_ =	shalt  }
0x72: {  	_ =	shalt  }
0x73: {  	_ =	shalt  }
0x74: {  	_ =	shalt  }
0x75: {  	_ =	shalt  }
0x76: {  	_ =	shalt  }
0x77: {  	_ =	shalt  }
0x78: {  	_ =	shalt  }
0x79: {  	_ =	shalt  }
0x7a: {  	_ =	shalt  }
0x7b: {  	_ =	shalt  }
0x7c: {  	_ =	shalt  }
0x7d: {  	_ =	shalt  }
0x7e: {  	_ =	shalt  }
0x7f: {  	_ =	shalt  }
0x80: {  	_ =	shalt  }
0x81: {  	_ =	shalt  }
0x82: {  	_ =	shalt  }
0x83: {  	_ =	shalt  }
0x84: {  	_ =	shalt  }
0x85: {  	_ =	shalt  }
0x86: {  	_ =	shalt  }
0x87: {  	_ =	shalt  }
.Lfunc_end0:
.L_simem_size_0:
called_computation.1_lowered:
.L_overlay_start_0:
0x88: {  	s2 =	sld [smem:$0x3FD9]  }
0x89: {  	s3 =	sld [smem:$0x3FFE];
	_ =	sdelay $0x1  }
0x8a: {  	s1 =	srdreg.scid  }
0x8b: {  	s0 =	sand.u32 $0x1, s1  }
0x8c: {  	s16 =	sshll.u32 s0, $0xA;
	s2 =	sadd.s32 s3, s2  }
0x8d: {  	s2 =	sadd.s32 s2, s16  }
0x8e: {  	[smem:$0x3FAA] =	sst s2  }
0x8f: {  	_ = 	snop  }
0x90: {  	(tm) =	ssettm $0x1  }
0x91: {  	s17 =	sld [smem:$0x3FFB];
	_ =	sdelay $0x3  }
0x92: {  	_ =	strace s17  }
0x93: {  	s2 =	sld [smem:$0x3FFC];
	_ =	sdelay $0x3  }
0x94: {  	_ =	strace s2  }
0x95: {  	s2 =	sld [smem:$0x3FFD];
	_ =	sdelay $0x3  }
0x96: {  	_ =	strace s2  }
0x97: {  	_ =	strace $0x8FFFFFFF  }
0x98: {  	s18 =	sld [smem:$0x3FDB];
	_ =	sdelay $0x1  }
0x99: {  	s19 =	simm.s32 $_scs_section_size  }
0x9a: {  	s4 =	simm.s32 $_size__tile_overlayer_lowered;
	s5 =	simm.s32 $_tile_overlayer_lowered  }
0x9b: {  	s22 =	simm.s32 $0x1BFF;
	s21 =	sshll.u32 s5, $0x1;
	s2 =	sadd.s32 s19, s18  }
0x9c: {  	s6 =	simm.s32 $0x0;
	s20 =	sshll.u32 s4, $0x1;
	s4 =	sadd.s32 s21, s2  }
0x9d: {  	[timem:s6], [sflag:s22] =	dma.local [hbm:s4], s20  }
0x9e: {  	_ =	swait.ge [sflag:s22], s20  }
0x9f: {  	s3 =	ssub.s32 $0x0, s20;
	[sflag:s22] =	ssyncset.done $0x0  }
0xa0: {  	[sflag:s22] =	ssyncadd.s32 s3;
	_ =	sdelay $0x1  }
0xa1: {  	s23 =	simm.s32 $0x1B8B  }
0xa2: {  	_ =	swait.ge [sflag:s23], $0x1  }
0xa3: {  	[sflag:s23] =	ssyncset.done $0x0  }
0xa4: {  	s25 =	simm.s32 $0x1B8E;
	s24 =	sld [smem:$0x3FFE];
	[sflag:s23] =	ssyncadd.s32 $0xFFFFFFFF  }
0xa5: {  	s26 =	simm.s32 $execute0_lowered;
	[smem:$0x3FD2] =	sst s25  }
0xa6: {  	s4 =	sshll.u32 s26, $0x1;
	_ =	strace $0x80000049;
	[dreg:$0x1] =	wrdreg $0xFFFFFFFF  }
0xa7: {  	s28 =	simm.s32 $_size_execute0_lowered;
	s2 =	sadd.s32 s2, s4;
	[dreg:$0x0] =	wrdreg $0x0  }
0xa8: {  	s4 =	sshll.u32 s28, $0x1;
	[dreg:$0x2] =	wrdreg s2  }
0xa9: {  	[dreg:$0x3] =	wrdreg s4  }
0xaa: {  	[dreg:$0x4] =	wrdreg $0xC0  }
0xab: {  	_ =	task [dreg:s6], $0x5FFFF  }
0xac: {  	[dreg:$0x1] =	wrdreg $0xFFFFFFFF  }
0xad: {  	[dreg:$0x0] =	wrdreg $0x60  }
0xae: {  	[dreg:$0x2] =	wrdreg s24  }
0xaf: {  	[dreg:$0x3] =	wrdreg $0x0  }
0xb0: {  	[dreg:$0x4] =	wrdreg $0x9  }
0xb1: {  	_ =	task.clear_ibuf [dreg:s6], $0x5FFFF;
	_ =	strace $0x90000049  }
0xb2: {  	s29 =	simm.s32 $0x9;
	_ =	strace $0x8000004B  }
0xb3: {  	_ =	swait.ge [sflag:s29], $0x1  }
0xb4: {  	[sflag:s29] =	ssyncadd.s32 $0xFFFFFFFF  }
0xb5: {  	_ =	strace $0x9000004B  }
0xb6: {  	_ =	sfence  }
0xb7: {  	s30 =	sld [smem:$0x0];
	_ =	sdelay $0x2  }
0xb8: {  	s31 =	sshll.u32 s1, $0xD;
	s1 =	sshrl.u32 s1, $0x2  }
0xb9: {  	s3 =	sand.u32 $0x4000, s31;
	s1 =	sadd.s32 s1, s30  }
0xba: {  	s0 =	sor.u32 s3, s0;
	s1 =	sshll.u32 s1, $0x11  }
0xbb: {  	s0 =	sor.u32 s1, s0  }
0xbc: {  	s0 =	sadd.s32 $0x8F2B, s0  }
0xbd: {  	[sflag:s0] =	ssyncadd.remote.s32 $0x1  }
0xbe: {  	_ =	sfence.sel $0xFFFF  }
0xbf: {  	[dreg:$0x0] =	wrdreg $0xFFFFFFFF;
	(pc) =	sbr.abs _section_cstart, $3  }
0xc0: {  	[dreg:$0x1] =	wrdreg $0xFFFFFFFF  }
0xc1: {  	_ =	task.clear_ibuf [dreg:s6], $0x2FFFF;
	_ =	strace $0x9FFFFFFF  }
0xc2: {  	(tm) =	ssettm $0x7FFFFFFF  }
0xc3: {  	_ =	shalt  }
tec
execute0_lowered:
.L_overlay_start_1:
0x0: {  	(tag) =	ssettag $0x1  }
0x1: {  	s5 =	rddreg [dreg:$0x0]  }
0x2: {  	s2 =	rddreg [dreg:$0x1]  }
0x3: {  	s0 =	srdreg.scid;
	s1 =	rddreg [dreg:$0x2];
	s3 =	simm.s32 $0x0  }
0x4: {  	s13 =	simm.s32 $0x14000;
	s14 =	simm.s32 $0x14080;
	s6 =	sand.u32 $0x1, s0  }
0x5: {  	s15 =	simm.s32 $0x50;
	s0 =	stileid.u32;
	s4 =	smul.u32 $0x27100, s6  }
0x6: {  	s16 =	simm.s32 $0x14100;
	s17 =	simm.s32 $0x1;
	s7 =	smul.u32 $0x2710, s0  }
0x7: {  	s18 =	simm.s32 $0x0;
	[smem:$0x7FF] =	sst s3;
	s25 =	smul.u32 $0x2800, s0  }
0x8: {  	s9 =	smul.u32 $0x28000, s6;
	_ =	strace $0x8000004A;
	s6 =	ssub.s32 $0x2, s6  }
0x9: {  	s28 =	smul.u32 $0x50000, s0;
	s31 =	sshll.u32 s0, $0x6;
	s29 =	sshrl.u32 s6, $0x1  }
0xa: {  	s4 =	sadd.s32 s7, s4;
	s26 =	sadd.s32 s25, s9;
	s7 =	sadd.s32 s25, s5  }
0xb: {  	s11 =	ssub.s32 s6, s29;
	s30 =	sshrl.u32 s28, $0x2;
	s6 =	sor.u32 $0x1C02, s31  }
0xc: {  	s8 =	sshrl.u32 s4, $0x3;
	s4 =	sadd.s32 $0xB4600, s5;
	s12 =	sadd.s32 s30, s2  }
0xd: {  	s10 =	sadd.s32 s8, s5;
	s8 =	sadd.s32 s26, s5;
	s5 =	sadd.s32 $0x3C600, s7  }
0xe: {  	s7 =	sadd.s32 $0x64600, s8;
	s8 =	smax.u32 s11, $0x1;
	s9 =	sadd.s32 $0xA00, s10  }
0xf: {  	s10 =	sadd.s32 $0xA800, s10;
	s11 =	sshrl.u32 s12, $0x3;
	s12 =	simm.s32 $0x2  }
.LBB2_1:
0x10: {  	[spmem:s11], [sflag:s6] =	dma.local [hbm:s5], $0x2800  }
0x11: {  	_ =	swait.ge [sflag:s12], $0x2800  }
0x12: {  	[sflag:s12] =	ssyncset.done $0x0  }
0x13: {  	[sflag:s12] =	ssyncadd.s32 $0xFFFFD800  }
0x14: {  	s19 =	sadd.s32 $0x0, s10;
	[bflag:$0x0] =	sbarrier.arrive $0xFFFF  }
0x15: {  	[tilespmem:s13], [sflag:$0x2] =	stream.linear.gather [hbm4b:s19+s3], $0x50, $0x38;
	[tilespmem:$0x16900] =	vst v63  }
0x16: {  	_ =	swait.ge [sflag:s12], $0x50  }
0x17: {  	[sflag:s12] =	ssyncset.done $0x0  }
0x18: {  	s31 =	sadd.s32 $0x0, s9;
	[sflag:s12] =	ssyncadd.s32 $0xFFFFFFB0  }
0x19: {  	[tilespmem:s14], [sflag:$0x2] =	stream.linear.gather [hbm4b:s31+s3], $0x50, $0x38;
	[tilespmem:$0x16900] =	vst v63  }
0x1a: {  	_ =	swait.ge [sflag:s12], $0x50  }
0x1b: {  	[sflag:s12] =	ssyncset.done $0x0  }
0x1c: {  	[sflag:s12] =	ssyncadd.s32 $0xFFFFFFB0  }
0x1d: {  	[tilespmem:s16], [sflag:$0x1] =	stream.indirect.gather [hbm4b:s4+s15], $0x80, s13, s15, $0xb8;
	[tilespmem:$0x16900] =	vst v63  }
0x1e: {  	_ =	swait.ge [sflag:s17], $0x2800  }
0x1f: {  	[sflag:s17] =	ssyncset.done $0x0  }
0x20: {  	[sflag:s17] =	ssyncadd.s32 $0xFFFFD800  }
0x21: {  	[spmem:s2] =	stream.indirect.scatter.add.f32 [tilespmem:s16], [sflag:$0x2], $0x80, s14, s15, $0xb8;
	[tilespmem:$0x16900] =	vst v63  }
0x22: {  	_ =	swait.ge [sflag:s12], $0x2800  }
0x23: {  	s20 =	simm.s32 $0x14;
	s19 =	simm.s32 $0xA;
	[sflag:s12] =	ssyncset.done $0x0  }
.LBB2_2:
0x24: {  	s21 =	sadd.s32 s19, s10  }
0x25: {  	[sflag:s12] =	ssyncadd.s32 $0xFFFFD800;
	s22 =	smov.u32 s20;
	s23 =	sadd.s32 $0xA, s20  }
0x26: {  	[tilespmem:s13], [sflag:$0x2] =	stream.linear.gather [hbm4b:s21+s3], $0x50, $0x38;
	[tilespmem:$0x16900] =	vst v63  }
0x27: {  	p0 =	sne.s32 s20, $0x4D8;
	_ =	swait.ge [sflag:s12], $0x50  }
0x28: {  	[sflag:s12] =	ssyncset.done $0x0  }
0x29: {  	s20 =	sadd.s32 s19, s9;
	s19 =	smov.u32 s22;
	[sflag:s12] =	ssyncadd.s32 $0xFFFFFFB0  }
0x2a: {  	[tilespmem:s14], [sflag:$0x2] =	stream.linear.gather [hbm4b:s20+s3], $0x50, $0x38;
	[tilespmem:$0x16900] =	vst v63  }
0x2b: {  	_ =	swait.ge [sflag:s12], $0x50  }
0x2c: {  	[sflag:s12] =	ssyncset.done $0x0  }
0x2d: {  	[sflag:s12] =	ssyncadd.s32 $0xFFFFFFB0  }
0x2e: {  	[tilespmem:s16], [sflag:$0x1] =	stream.indirect.gather [hbm4b:s4+s15], $0x80, s13, s15, $0xb8;
	[tilespmem:$0x16900] =	vst v63  }
0x2f: {  	_ =	swait.ge [sflag:s17], $0x2800  }
.Ltmp0:
0x30: {  	[sflag:s17] =	ssyncset.done $0x0;
	(pc) =	sbr.rel @p0 .LBB2_2-.Ltmp0, $4  }
0x31: {  	[sflag:s17] =	ssyncadd.s32 $0xFFFFD800  }
0x32: {  	[spmem:s2] =	stream.indirect.scatter.add.f32 [tilespmem:s16], [sflag:$0x2], $0x80, s14, s15, $0xb8;
	[tilespmem:$0x16900] =	vst v63  }
0x33: {  	_ =	swait.ge [sflag:s12], $0x2800  }
0x34: {  	s20 =	smov.u32 s23;
	[sflag:s12] =	ssyncset.done $0x0  }
0x35: {  	s20 =	sadd.s32 s19, s10;
	[sflag:s12] =	ssyncadd.s32 $0xFFFFD800  }
0x36: {  	[tilespmem:s13], [sflag:$0x2] =	stream.linear.gather [hbm4b:s20+s3], $0x50, $0x38;
	[tilespmem:$0x16900] =	vst v63  }
0x37: {  	_ =	swait.ge [sflag:s12], $0x50  }
0x38: {  	[sflag:s12] =	ssyncset.done $0x0  }
0x39: {  	s31 =	sadd.s32 s19, s9;
	[sflag:s12] =	ssyncadd.s32 $0xFFFFFFB0  }
0x3a: {  	[tilespmem:s14], [sflag:$0x2] =	stream.linear.gather [hbm4b:s31+s3], $0x50, $0x38;
	[tilespmem:$0x16900] =	vst v63  }
0x3b: {  	_ =	swait.ge [sflag:s12], $0x50  }
0x3c: {  	[sflag:s12] =	ssyncset.done $0x0  }
0x3d: {  	[sflag:s12] =	ssyncadd.s32 $0xFFFFFFB0  }
0x3e: {  	[tilespmem:s16], [sflag:$0x1] =	stream.indirect.gather [hbm4b:s4+s15], $0x80, s13, s15, $0xb8;
	[tilespmem:$0x16900] =	vst v63  }
0x3f: {  	_ =	swait.ge [sflag:s17], $0x2800  }
0x40: {  	[sflag:s17] =	ssyncset.done $0x0  }
0x41: {  	[sflag:s17] =	ssyncadd.s32 $0xFFFFD800  }
0x42: {  	[spmem:s2] =	stream.indirect.scatter.add.f32 [tilespmem:s16], [sflag:$0x2], $0x80, s14, s15, $0xb8;
	[tilespmem:$0x16900] =	vst v63  }
0x43: {  	_ =	swait.ge [sflag:s12], $0x2800  }
0x44: {  	s18 =	sadd.s32 $0x1, s18;
	[sflag:s12] =	ssyncset.done $0x0  }
0x45: {  	p0 =	sne.s32 s18, s8;
	[sflag:s12] =	ssyncadd.s32 $0xFFFFD800  }
.Ltmp1:
0x46: {  	[bflag:$0x0] =	sbarrier.arrive $0xFFFF;
	(pc) =	sbr.rel @p0 .LBB2_1-.Ltmp1, $4  }
0x47: {  	[hbm:s7], [sflag:s6] =	dma.local [spmem:s11], $0x2800  }
0x48: {  	_ =	swait.ge [sflag:s12], $0x2800  }
0x49: {  	[sflag:s12] =	ssyncset.done $0x0  }
0x4a: {  	[sflag:s12] =	ssyncadd.s32 $0xFFFFD800  }
0x4b: {  	_ =	sfence.sel $0x180000  }
0x4c: {  	[bflag:$0x0] =	sbarrier.arrive $0xFFFF  }
0x4d: {  	p0 =	sne.s32 s0, $0x0;
	_ =	strace $0x9000004A  }
0x4e: {  	s0 =	sadd.s32 @!p0 $0x100000, s1;
	[bflag:$0x2] =	sbarrier.arrive $0xFFFF  }
0x4f: {  	[sflag:s0] =	ssyncadd.tile.s32 @!p0 $0x1;
	_ =	shalt  }
.Lfunc_end2:
_tile_overlayer_lowered:
.L_overlay_start_2:
0x50: {  	(tag) =	ssettag $0x2  }
0x51: {  	s0 =	rddreg [dreg:$0x0];
	s2 =	stileid.u32  }
0x52: {  	s1 =	rddreg [dreg:$0x1];
	p0 =	sne.s32 s2, $0x0  }
0x53: {  	s3 =	rddreg [dreg:$0x2];
	[bflag:$0x3] =	sbarrier.arrive $0xFFFF;
	s2 =	simm.s32 @!p0 $0x1C02  }
0x54: {  	[timem:s3], [sflag:s2] =	dma.local @!p0 [hbm:s0], s1  }
0x55: {  	s0 =	simm.s32 @!p0 $0x2  }
0x56: {  	_ =	swait.ge @!p0 [sflag:s0], s1  }
0x57: {  	s1 =	ssub.s32 @!p0 $0x0, s1;
	[sflag:s0] =	ssyncset.done @!p0 $0x0  }
0x58: {  	[sflag:s0] =	ssyncadd.s32 @!p0 s1  }
0x59: {  	[bflag:$0x3] =	sbarrier.arrive $0xFFFF  }
0x5a: {  	_ =	shalt  }

// kernel: kernel.15.cloned.1.call-start
scs
__scs_entry_jumppad:
0x0: {  	(pc) =	sbr.rel $0x88, $3  }
0x1: {  	(tag) =	ssettag $0x0;
	lr =	simm.s32 $0x1  }
0x2: {  	[smem:$0x3F83] =	sst lr;
	_ =	strace $0xD0000000  }
0x3: {  	_ = 	snop  }
0x4: {  	_ = 	snop  }
0x5: {  	_ = 	snop  }
0x6: {  	_ = 	snop  }
0x7: {  	_ = 	snop  }
__scs_overlays_trampoline_lowered:
0x8: {  	[smem:$0x3F92] =	sst s0  }
0x9: {  	[smem:$0x3F93] =	sst s1  }
0xa: {  	[smem:$0x3F94] =	sst s2  }
0xb: {  	[smem:$0x3F95] =	sst s3  }
0xc: {  	[smem:$0x3F96] =	sst s4  }
0xd: {  	[smem:$0x3F97] =	sst s5  }
0xe: {  	[smem:$0x3F98] =	sst s6  }
0xf: {  	[smem:$0x3F99] =	sst s7  }
0x10: {  	[smem:$0x3F9A] =	sst s8  }
0x11: {  	[smem:$0x3F9B] =	sst s9;
	s0 =	simm.s32 @!p0 $0x0  }
0x12: {  	s1 =	sld [smem:$0x3F81];
	s0 =	simm.s32 @p0 $0x1  }
0x13: {  	[smem:$0x3F9C] =	sst s0;
	s0 =	simm.s32 @!p1 $0x0  }
0x14: {  	s2 =	sld [smem:$0x3F80];
	s0 =	simm.s32 @p1 $0x1  }
0x15: {  	[smem:$0x3F9D] =	sst s0;
	s0 =	simm.s32 @!p2 $0x0  }
0x16: {  	s3 =	sld [smem:$0x3FDB];
	s0 =	simm.s32 @p2 $0x1  }
0x17: {  	s4 =	simm.s32 $0x1BF5;
	[smem:$0x3F9F] =	sst s0  }
0x18: {  	s0 =	sld [smem:$0x3F82];
	_ =	swait.ge [sflag:s4], $0x0  }
0x19: {  	s7 =	sld [smem:$0x3F83]  }
0x1a: {  	s8 =	sadd.s32 $0xFFFFE003, lr  }
0x1b: {  	s9 =	sadd.s32 $0xFFFFFEF7, lr;
	s5 =	simm.s32 $0xFFFFFFFF;
	p2 =	slt.u32 s8, $0xFFFFF086  }
0x1c: {  	p1 =	slt.u32 s9, $0xF7A;
	s5 =	simm.s32 @!p2 $0x0  }
0x1d: {  	s5 =	simm.s32 @p1 $0x1;
	p0 =	seq.s32 s7, s2  }
0x1e: {  	s7 =	smul.u32 @!p0 $0xF7A, s2;
	p2 =	seq.s32 @!p0 s5, $0x0  }
0x1f: {  	s9 =	smul.u32 $0xF7A, s1;
	s8 =	simm.s32 @!p0 $0x1BF5;
	p2 =	por !p2, p0  }
0x20: {  	[sflag:s8] =	ssyncset.s32 @!p0 $0xFFFFF086;
	s6 =	sadd.s32 @!p0 s3, s7;
	s7 =	simm.s32 @!p0 $0x108  }
0x21: {  	s3 =	sadd.s32 s3, s9;
	s6 =	sadd.s32 @!p0 $0x88, s6;
	s7 =	simm.s32 @p2 $0x1082  }
0x22: {  	[simem:s7], [sflag:s8] =	dma.local @!p0 [hbm:s6], $0xF7A  }
0x23: {  	s9 =	sor.u32 $0xD0000000, s2;
	s6 =	simm.s32 $0x108;
	_ =	swait.ge @!p0 [sflag:s8], $0x0  }
0x24: {  	s3 =	sadd.s32 $0x88, s3;
	s6 =	simm.s32 @!p1 $0x1082;
	[sflag:s4] =	ssyncset.s32 $0xFFFFF086  }
0x25: {  	[simem:s6], [sflag:s4] =	dma.local [hbm:s3], $0xF7A  }
0x26: {  	[smem:$0x3F83] =	sst s1;
	(tag) =	ssettag s2;
	_ =	strace s9  }
0x27: {  	s1 =	sld [smem:$0x3F93]  }
0x28: {  	s2 =	sld [smem:$0x3F94]  }
0x29: {  	s4 =	sld [smem:$0x3F96]  }
0x2a: {  	p0 =	seq.s32 s5, $0x0;
	s5 =	sld [smem:$0x3F97]  }
0x2b: {  	s6 =	sld [smem:$0x3F98]  }
0x2c: {  	s7 =	sld [smem:$0x3F99]  }
0x2d: {  	s3 =	simm.s32 $0x108;
	s8 =	sld [smem:$0x3F9A]  }
0x2e: {  	s3 =	simm.s32 @!p0 $0x1082;
	s9 =	sld [smem:$0x3F9B]  }
0x2f: {  	lr =	sadd.s32 s0, s3;
	s0 =	sld [smem:$0x3F92]  }
0x30: {  	s3 =	sld [smem:$0x3F95]  }
0x31: {  	[smem:$0x3F9E] =	sst s10  }
0x32: {  	s10 =	sld [smem:$0x3F9C];
	_ =	sdelay $0x3  }
0x33: {  	p0 =	seq.s32 s10, $0x1;
	s10 =	sld [smem:$0x3F9E];
	_ =	sdelay $0x3  }
0x34: {  	[smem:$0x3F9E] =	sst s10  }
0x35: {  	s10 =	sld [smem:$0x3F9D];
	_ =	sdelay $0x3  }
0x36: {  	p1 =	seq.s32 s10, $0x1;
	s10 =	sld [smem:$0x3F9E];
	_ =	sdelay $0x3  }
0x37: {  	[smem:$0x3F9E] =	sst s10  }
0x38: {  	s10 =	sld [smem:$0x3F9F]  }
0x39: {  	_ = 	snop;
	(pc) =	sbr.ind lr, $3  }
0x3a: {  	_ = 	snop  }
0x3b: {  	_ = 	snop  }
0x3c: {  	p2 =	seq.s32 s10, $0x1;
	s10 =	sld [smem:$0x3F9E]  }
0x3d: {  	_ =	shalt  }
0x3e: {  	_ =	shalt  }
0x3f: {  	_ =	shalt  }
0x40: {  	_ =	shalt  }
0x41: {  	_ =	shalt  }
0x42: {  	_ =	shalt  }
0x43: {  	_ =	shalt  }
0x44: {  	_ =	shalt  }
0x45: {  	_ =	shalt  }
0x46: {  	_ =	shalt  }
0x47: {  	_ =	shalt  }
0x48: {  	_ =	shalt  }
0x49: {  	_ =	shalt  }
0x4a: {  	_ =	shalt  }
0x4b: {  	_ =	shalt  }
0x4c: {  	_ =	shalt  }
0x4d: {  	_ =	shalt  }
0x4e: {  	_ =	shalt  }
0x4f: {  	_ =	shalt  }
0x50: {  	_ =	shalt  }
0x51: {  	_ =	shalt  }
0x52: {  	_ =	shalt  }
0x53: {  	_ =	shalt  }
0x54: {  	_ =	shalt  }
0x55: {  	_ =	shalt  }
0x56: {  	_ =	shalt  }
0x57: {  	_ =	shalt  }
0x58: {  	_ =	shalt  }
0x59: {  	_ =	shalt  }
0x5a: {  	_ =	shalt  }
0x5b: {  	_ =	shalt  }
0x5c: {  	_ =	shalt  }
0x5d: {  	_ =	shalt  }
0x5e: {  	_ =	shalt  }
0x5f: {  	_ =	shalt  }
0x60: {  	_ =	shalt  }
0x61: {  	_ =	shalt  }
0x62: {  	_ =	shalt  }
0x63: {  	_ =	shalt  }
0x64: {  	_ =	shalt  }
0x65: {  	_ =	shalt  }
0x66: {  	_ =	shalt  }
0x67: {  	_ =	shalt  }
0x68: {  	_ =	shalt  }
0x69: {  	_ =	shalt  }
0x6a: {  	_ =	shalt  }
0x6b: {  	_ =	shalt  }
0x6c: {  	_ =	shalt  }
0x6d: {  	_ =	shalt  }
0x6e: {  	_ =	shalt  }
0x6f: {  	_ =	shalt  }
0x70: {  	_ =	shalt  }
0x71: {  	_ =	shalt  }
0x72: {  	_ =	shalt  }
0x73: {  	_ =	shalt  }
0x74: {  	_ =	shalt  }
0x75: {  	_ =	shalt  }
0x76: {  	_ =	shalt  }
0x77: {  	_ =	shalt  }
0x78: {  	_ =	shalt  }
0x79: {  	_ =	shalt  }
0x7a: {  	_ =	shalt  }
0x7b: {  	_ =	shalt  }
0x7c: {  	_ =	shalt  }
0x7d: {  	_ =	shalt  }
0x7e: {  	_ =	shalt  }
0x7f: {  	_ =	shalt  }
0x80: {  	_ =	shalt  }
0x81: {  	_ =	shalt  }
0x82: {  	_ =	shalt  }
0x83: {  	_ =	shalt  }
0x84: {  	_ =	shalt  }
0x85: {  	_ =	shalt  }
0x86: {  	_ =	shalt  }
0x87: {  	_ =	shalt  }
.Lfunc_end0:
.L_simem_size_0:
called_computation.2_lowered:
.L_overlay_start_0:
0x88: {  	s2 =	sld [smem:$0x3FD9]  }
0x89: {  	s3 =	sld [smem:$0x3FFE];
	_ =	sdelay $0x1  }
0x8a: {  	s1 =	srdreg.scid  }
0x8b: {  	s0 =	sand.u32 $0x1, s1  }
0x8c: {  	s16 =	sshll.u32 s0, $0xA;
	s2 =	sadd.s32 s3, s2  }
0x8d: {  	s2 =	sadd.s32 s2, s16  }
0x8e: {  	[smem:$0x3FAA] =	sst s2  }
0x8f: {  	_ = 	snop  }
0x90: {  	(tm) =	ssettm $0x1  }
0x91: {  	s17 =	sld [smem:$0x3FFB];
	_ =	sdelay $0x3  }
0x92: {  	_ =	strace s17  }
0x93: {  	s2 =	sld [smem:$0x3FFC];
	_ =	sdelay $0x3  }
0x94: {  	_ =	strace s2  }
0x95: {  	s2 =	sld [smem:$0x3FFD];
	_ =	sdelay $0x3  }
0x96: {  	_ =	strace s2  }
0x97: {  	_ =	strace $0x8FFFFFFF  }
0x98: {  	s18 =	sld [smem:$0x3FDB];
	_ =	sdelay $0x1  }
0x99: {  	s19 =	simm.s32 $_scs_section_size  }
0x9a: {  	s4 =	simm.s32 $_size__tile_overlayer_lowered;
	s5 =	simm.s32 $_tile_overlayer_lowered  }
0x9b: {  	s22 =	simm.s32 $0x1BFF;
	s21 =	sshll.u32 s5, $0x1;
	s2 =	sadd.s32 s19, s18  }
0x9c: {  	s6 =	simm.s32 $0x0;
	s20 =	sshll.u32 s4, $0x1;
	s4 =	sadd.s32 s21, s2  }
0x9d: {  	[timem:s6], [sflag:s22] =	dma.local [hbm:s4], s20  }
0x9e: {  	_ =	swait.ge [sflag:s22], s20  }
0x9f: {  	s3 =	ssub.s32 $0x0, s20;
	[sflag:s22] =	ssyncset.done $0x0  }
0xa0: {  	[sflag:s22] =	ssyncadd.s32 s3;
	_ =	sdelay $0x1  }
0xa1: {  	s23 =	simm.s32 $0x1B8B  }
0xa2: {  	_ =	swait.ge [sflag:s23], $0x1  }
0xa3: {  	[sflag:s23] =	ssyncset.done $0x0  }
0xa4: {  	s25 =	simm.s32 $0x1B8E;
	s24 =	sld [smem:$0x3FFE];
	[sflag:s23] =	ssyncadd.s32 $0xFFFFFFFF  }
0xa5: {  	s26 =	simm.s32 $execute0_lowered;
	[smem:$0x3FD2] =	sst s25  }
0xa6: {  	s4 =	sshll.u32 s26, $0x1;
	_ =	strace $0x8000004C;
	[dreg:$0x1] =	wrdreg $0xFFFFFFFF  }
0xa7: {  	s28 =	simm.s32 $_size_execute0_lowered;
	s2 =	sadd.s32 s2, s4;
	[dreg:$0x0] =	wrdreg $0x0  }
0xa8: {  	s4 =	sshll.u32 s28, $0x1;
	[dreg:$0x2] =	wrdreg s2  }
0xa9: {  	[dreg:$0x3] =	wrdreg s4  }
0xaa: {  	[dreg:$0x4] =	wrdreg $0xC0  }
0xab: {  	_ =	task [dreg:s6], $0x5FFFF  }
0xac: {  	[dreg:$0x1] =	wrdreg $0xFFFFFFFF  }
0xad: {  	[dreg:$0x0] =	wrdreg $0x60  }
0xae: {  	[dreg:$0x2] =	wrdreg s24  }
0xaf: {  	[dreg:$0x3] =	wrdreg $0x0  }
0xb0: {  	[dreg:$0x4] =	wrdreg $0x9  }
0xb1: {  	_ =	task.clear_ibuf [dreg:s6], $0x5FFFF;
	_ =	strace $0x9000004C  }
0xb2: {  	s29 =	simm.s32 $0x9;
	_ =	strace $0x8000004E  }
0xb3: {  	_ =	swait.ge [sflag:s29], $0x1  }
0xb4: {  	[sflag:s29] =	ssyncadd.s32 $0xFFFFFFFF  }
0xb5: {  	_ =	strace $0x9000004E  }
0xb6: {  	_ =	sfence  }
0xb7: {  	s30 =	sld [smem:$0x0];
	_ =	sdelay $0x2  }
0xb8: {  	s31 =	sshll.u32 s1, $0xD;
	s1 =	sshrl.u32 s1, $0x2  }
0xb9: {  	s3 =	sand.u32 $0x4000, s31;
	s1 =	sadd.s32 s1, s30  }
0xba: {  	s0 =	sor.u32 s3, s0;
	s1 =	sshll.u32 s1, $0x11  }
0xbb: {  	s0 =	sor.u32 s1, s0  }
0xbc: {  	s0 =	sadd.s32 $0x8F2B, s0  }
0xbd: {  	[sflag:s0] =	ssyncadd.remote.s32 $0x1  }
0xbe: {  	_ =	sfence.sel $0xFFFF  }
0xbf: {  	[dreg:$0x0] =	wrdreg $0xFFFFFFFF;
	(pc) =	sbr.abs _section_cstart, $3  }
0xc0: {  	[dreg:$0x1] =	wrdreg $0xFFFFFFFF  }
0xc1: {  	_ =	task.clear_ibuf [dreg:s6], $0x2FFFF;
	_ =	strace $0x9FFFFFFF  }
0xc2: {  	(tm) =	ssettm $0x7FFFFFFF  }
0xc3: {  	_ =	shalt  }
tec
execute0_lowered:
.L_overlay_start_1:
0x0: {  	(tag) =	ssettag $0x1  }
0x1: {  	s5 =	rddreg [dreg:$0x0]  }
0x2: {  	s2 =	rddreg [dreg:$0x1]  }
0x3: {  	s0 =	srdreg.scid;
	s1 =	rddreg [dreg:$0x2];
	s3 =	simm.s32 $0x0  }
0x4: {  	s13 =	simm.s32 $0x14000;
	s14 =	simm.s32 $0x14080;
	s6 =	sand.u32 $0x1, s0  }
0x5: {  	s15 =	simm.s32 $0x50;
	s0 =	stileid.u32;
	s4 =	smul.u32 $0x27100, s6  }
0x6: {  	s16 =	simm.s32 $0x14100;
	s17 =	simm.s32 $0x1;
	s7 =	smul.u32 $0x2710, s0  }
0x7: {  	s18 =	simm.s32 $0x0;
	[smem:$0x7FF] =	sst s3;
	s25 =	smul.u32 $0x2800, s0  }
0x8: {  	s9 =	smul.u32 $0x28000, s6;
	_ =	strace $0x8000004D;
	s6 =	ssub.s32 $0x2, s6  }
0x9: {  	s28 =	smul.u32 $0x50000, s0;
	s31 =	sshll.u32 s0, $0x6;
	s29 =	sshrl.u32 s6, $0x1  }
0xa: {  	s4 =	sadd.s32 s7, s4;
	s26 =	sadd.s32 s25, s9;
	s7 =	sadd.s32 s25, s5  }
0xb: {  	s11 =	ssub.s32 s6, s29;
	s30 =	sshrl.u32 s28, $0x2;
	s6 =	sor.u32 $0x1C02, s31  }
0xc: {  	s8 =	sshrl.u32 s4, $0x3;
	s4 =	sadd.s32 $0x14600, s5;
	s12 =	sadd.s32 s30, s2  }
0xd: {  	s10 =	sadd.s32 s8, s5;
	s8 =	sadd.s32 s26, s5;
	s5 =	sadd.s32 $0x3C600, s7  }
0xe: {  	s7 =	sadd.s32 $0x64600, s8;
	s8 =	smax.u32 s11, $0x1;
	s9 =	sadd.s32 $0xA00, s10  }
0xf: {  	s10 =	sadd.s32 $0xA800, s10;
	s11 =	sshrl.u32 s12, $0x3;
	s12 =	simm.s32 $0x2  }
.LBB2_1:
0x10: {  	[spmem:s11], [sflag:s6] =	dma.local [hbm:s5], $0x2800  }
0x11: {  	_ =	swait.ge [sflag:s12], $0x2800  }
0x12: {  	[sflag:s12] =	ssyncset.done $0x0  }
0x13: {  	[sflag:s12] =	ssyncadd.s32 $0xFFFFD800  }
0x14: {  	s19 =	sadd.s32 $0x0, s10;
	[bflag:$0x0] =	sbarrier.arrive $0xFFFF  }
0x15: {  	[tilespmem:s13], [sflag:$0x2] =	stream.linear.gather [hbm4b:s19+s3], $0x50, $0x38;
	[tilespmem:$0x16900] =	vst v63  }
0x16: {  	_ =	swait.ge [sflag:s12], $0x50  }
0x17: {  	[sflag:s12] =	ssyncset.done $0x0  }
0x18: {  	s31 =	sadd.s32 $0x0, s9;
	[sflag:s12] =	ssyncadd.s32 $0xFFFFFFB0  }
0x19: {  	[tilespmem:s14], [sflag:$0x2] =	stream.linear.gather [hbm4b:s31+s3], $0x50, $0x38;
	[tilespmem:$0x16900] =	vst v63  }
0x1a: {  	_ =	swait.ge [sflag:s12], $0x50  }
0x1b: {  	[sflag:s12] =	ssyncset.done $0x0  }
0x1c: {  	[sflag:s12] =	ssyncadd.s32 $0xFFFFFFB0  }
0x1d: {  	[tilespmem:s16], [sflag:$0x1] =	stream.indirect.gather [hbm4b:s4+s15], $0x80, s13, s15, $0xb8;
	[tilespmem:$0x16900] =	vst v63  }
0x1e: {  	_ =	swait.ge [sflag:s17], $0x2800  }
0x1f: {  	[sflag:s17] =	ssyncset.done $0x0  }
0x20: {  	[sflag:s17] =	ssyncadd.s32 $0xFFFFD800  }
0x21: {  	[spmem:s2] =	stream.indirect.scatter.add.f32 [tilespmem:s16], [sflag:$0x2], $0x80, s14, s15, $0xb8;
	[tilespmem:$0x16900] =	vst v63  }
0x22: {  	_ =	swait.ge [sflag:s12], $0x2800  }
0x23: {  	s20 =	simm.s32 $0x14;
	s19 =	simm.s32 $0xA;
	[sflag:s12] =	ssyncset.done $0x0  }
.LBB2_2:
0x24: {  	s21 =	sadd.s32 s19, s10  }
0x25: {  	[sflag:s12] =	ssyncadd.s32 $0xFFFFD800;
	s22 =	smov.u32 s20;
	s23 =	sadd.s32 $0xA, s20  }
0x26: {  	[tilespmem:s13], [sflag:$0x2] =	stream.linear.gather [hbm4b:s21+s3], $0x50, $0x38;
	[tilespmem:$0x16900] =	vst v63  }
0x27: {  	p0 =	sne.s32 s20, $0x4D8;
	_ =	swait.ge [sflag:s12], $0x50  }
0x28: {  	[sflag:s12] =	ssyncset.done $0x0  }
0x29: {  	s20 =	sadd.s32 s19, s9;
	s19 =	smov.u32 s22;
	[sflag:s12] =	ssyncadd.s32 $0xFFFFFFB0  }
0x2a: {  	[tilespmem:s14], [sflag:$0x2] =	stream.linear.gather [hbm4b:s20+s3], $0x50, $0x38;
	[tilespmem:$0x16900] =	vst v63  }
0x2b: {  	_ =	swait.ge [sflag:s12], $0x50  }
0x2c: {  	[sflag:s12] =	ssyncset.done $0x0  }
0x2d: {  	[sflag:s12] =	ssyncadd.s32 $0xFFFFFFB0  }
0x2e: {  	[tilespmem:s16], [sflag:$0x1] =	stream.indirect.gather [hbm4b:s4+s15], $0x80, s13, s15, $0xb8;
	[tilespmem:$0x16900] =	vst v63  }
0x2f: {  	_ =	swait.ge [sflag:s17], $0x2800  }
.Ltmp0:
0x30: {  	[sflag:s17] =	ssyncset.done $0x0;
	(pc) =	sbr.rel @p0 .LBB2_2-.Ltmp0, $4  }
0x31: {  	[sflag:s17] =	ssyncadd.s32 $0xFFFFD800  }
0x32: {  	[spmem:s2] =	stream.indirect.scatter.add.f32 [tilespmem:s16], [sflag:$0x2], $0x80, s14, s15, $0xb8;
	[tilespmem:$0x16900] =	vst v63  }
0x33: {  	_ =	swait.ge [sflag:s12], $0x2800  }
0x34: {  	s20 =	smov.u32 s23;
	[sflag:s12] =	ssyncset.done $0x0  }
0x35: {  	s20 =	sadd.s32 s19, s10;
	[sflag:s12] =	ssyncadd.s32 $0xFFFFD800  }
0x36: {  	[tilespmem:s13], [sflag:$0x2] =	stream.linear.gather [hbm4b:s20+s3], $0x50, $0x38;
	[tilespmem:$0x16900] =	vst v63  }
0x37: {  	_ =	swait.ge [sflag:s12], $0x50  }
0x38: {  	[sflag:s12] =	ssyncset.done $0x0  }
0x39: {  	s31 =	sadd.s32 s19, s9;
	[sflag:s12] =	ssyncadd.s32 $0xFFFFFFB0  }
0x3a: {  	[tilespmem:s14], [sflag:$0x2] =	stream.linear.gather [hbm4b:s31+s3], $0x50, $0x38;
	[tilespmem:$0x16900] =	vst v63  }
0x3b: {  	_ =	swait.ge [sflag:s12], $0x50  }
0x3c: {  	[sflag:s12] =	ssyncset.done $0x0  }
0x3d: {  	[sflag:s12] =	ssyncadd.s32 $0xFFFFFFB0  }
0x3e: {  	[tilespmem:s16], [sflag:$0x1] =	stream.indirect.gather [hbm4b:s4+s15], $0x80, s13, s15, $0xb8;
	[tilespmem:$0x16900] =	vst v63  }
0x3f: {  	_ =	swait.ge [sflag:s17], $0x2800  }
0x40: {  	[sflag:s17] =	ssyncset.done $0x0  }
0x41: {  	[sflag:s17] =	ssyncadd.s32 $0xFFFFD800  }
0x42: {  	[spmem:s2] =	stream.indirect.scatter.add.f32 [tilespmem:s16], [sflag:$0x2], $0x80, s14, s15, $0xb8;
	[tilespmem:$0x16900] =	vst v63  }
0x43: {  	_ =	swait.ge [sflag:s12], $0x2800  }
0x44: {  	s18 =	sadd.s32 $0x1, s18;
	[sflag:s12] =	ssyncset.done $0x0  }
0x45: {  	p0 =	sne.s32 s18, s8;
	[sflag:s12] =	ssyncadd.s32 $0xFFFFD800  }
.Ltmp1:
0x46: {  	[bflag:$0x0] =	sbarrier.arrive $0xFFFF;
	(pc) =	sbr.rel @p0 .LBB2_1-.Ltmp1, $4  }
0x47: {  	[hbm:s7], [sflag:s6] =	dma.local [spmem:s11], $0x2800  }
0x48: {  	_ =	swait.ge [sflag:s12], $0x2800  }
0x49: {  	[sflag:s12] =	ssyncset.done $0x0  }
0x4a: {  	[sflag:s12] =	ssyncadd.s32 $0xFFFFD800  }
0x4b: {  	_ =	sfence.sel $0x180000  }
0x4c: {  	[bflag:$0x0] =	sbarrier.arrive $0xFFFF  }
0x4d: {  	p0 =	sne.s32 s0, $0x0;
	_ =	strace $0x9000004D  }
0x4e: {  	s0 =	sadd.s32 @!p0 $0x100000, s1;
	[bflag:$0x2] =	sbarrier.arrive $0xFFFF  }
0x4f: {  	[sflag:s0] =	ssyncadd.tile.s32 @!p0 $0x1;
	_ =	shalt  }
.Lfunc_end2:
_tile_overlayer_lowered:
.L_overlay_start_2:
0x50: {  	(tag) =	ssettag $0x2  }
0x51: {  	s0 =	rddreg [dreg:$0x0];
	s2 =	stileid.u32  }
0x52: {  	s1 =	rddreg [dreg:$0x1];
	p0 =	sne.s32 s2, $0x0  }
0x53: {  	s3 =	rddreg [dreg:$0x2];
	[bflag:$0x3] =	sbarrier.arrive $0xFFFF;
	s2 =	simm.s32 @!p0 $0x1C02  }
0x54: {  	[timem:s3], [sflag:s2] =	dma.local @!p0 [hbm:s0], s1  }
0x55: {  	s0 =	simm.s32 @!p0 $0x2  }
0x56: {  	_ =	swait.ge @!p0 [sflag:s0], s1  }
0x57: {  	s1 =	ssub.s32 @!p0 $0x0, s1;
	[sflag:s0] =	ssyncset.done @!p0 $0x0  }
0x58: {  	[sflag:s0] =	ssyncadd.s32 @!p0 s1  }
0x59: {  	[bflag:$0x3] =	sbarrier.arrive $0xFFFF  }
0x5a: {  	_ =	shalt  }

// kernel: kernel.9.cloned.1.call-start
scs
__scs_entry_jumppad:
0x0: {  	(pc) =	sbr.rel $0x88, $3  }
0x1: {  	(tag) =	ssettag $0x0;
	lr =	simm.s32 $0x1  }
0x2: {  	[smem:$0x3F83] =	sst lr;
	_ =	strace $0xD0000000  }
0x3: {  	_ = 	snop  }
0x4: {  	_ = 	snop  }
0x5: {  	_ = 	snop  }
0x6: {  	_ = 	snop  }
0x7: {  	_ = 	snop  }
__scs_overlays_trampoline_lowered:
0x8: {  	[smem:$0x3F92] =	sst s0  }
0x9: {  	[smem:$0x3F93] =	sst s1  }
0xa: {  	[smem:$0x3F94] =	sst s2  }
0xb: {  	[smem:$0x3F95] =	sst s3  }
0xc: {  	[smem:$0x3F96] =	sst s4  }
0xd: {  	[smem:$0x3F97] =	sst s5  }
0xe: {  	[smem:$0x3F98] =	sst s6  }
0xf: {  	[smem:$0x3F99] =	sst s7  }
0x10: {  	[smem:$0x3F9A] =	sst s8  }
0x11: {  	[smem:$0x3F9B] =	sst s9;
	s0 =	simm.s32 @!p0 $0x0  }
0x12: {  	s1 =	sld [smem:$0x3F81];
	s0 =	simm.s32 @p0 $0x1  }
0x13: {  	[smem:$0x3F9C] =	sst s0;
	s0 =	simm.s32 @!p1 $0x0  }
0x14: {  	s2 =	sld [smem:$0x3F80];
	s0 =	simm.s32 @p1 $0x1  }
0x15: {  	[smem:$0x3F9D] =	sst s0;
	s0 =	simm.s32 @!p2 $0x0  }
0x16: {  	s3 =	sld [smem:$0x3FDB];
	s0 =	simm.s32 @p2 $0x1  }
0x17: {  	s4 =	simm.s32 $0x1BF5;
	[smem:$0x3F9F] =	sst s0  }
0x18: {  	s0 =	sld [smem:$0x3F82];
	_ =	swait.ge [sflag:s4], $0x0  }
0x19: {  	s7 =	sld [smem:$0x3F83]  }
0x1a: {  	s8 =	sadd.s32 $0xFFFFE003, lr  }
0x1b: {  	s9 =	sadd.s32 $0xFFFFFEF7, lr;
	s5 =	simm.s32 $0xFFFFFFFF;
	p2 =	slt.u32 s8, $0xFFFFF086  }
0x1c: {  	p1 =	slt.u32 s9, $0xF7A;
	s5 =	simm.s32 @!p2 $0x0  }
0x1d: {  	s5 =	simm.s32 @p1 $0x1;
	p0 =	seq.s32 s7, s2  }
0x1e: {  	s7 =	smul.u32 @!p0 $0xF7A, s2;
	p2 =	seq.s32 @!p0 s5, $0x0  }
0x1f: {  	s9 =	smul.u32 $0xF7A, s1;
	s8 =	simm.s32 @!p0 $0x1BF5;
	p2 =	por !p2, p0  }
0x20: {  	[sflag:s8] =	ssyncset.s32 @!p0 $0xFFFFF086;
	s6 =	sadd.s32 @!p0 s3, s7;
	s7 =	simm.s32 @!p0 $0x108  }
0x21: {  	s3 =	sadd.s32 s3, s9;
	s6 =	sadd.s32 @!p0 $0x88, s6;
	s7 =	simm.s32 @p2 $0x1082  }
0x22: {  	[simem:s7], [sflag:s8] =	dma.local @!p0 [hbm:s6], $0xF7A  }
0x23: {  	s9 =	sor.u32 $0xD0000000, s2;
	s6 =	simm.s32 $0x108;
	_ =	swait.ge @!p0 [sflag:s8], $0x0  }
0x24: {  	s3 =	sadd.s32 $0x88, s3;
	s6 =	simm.s32 @!p1 $0x1082;
	[sflag:s4] =	ssyncset.s32 $0xFFFFF086  }
0x25: {  	[simem:s6], [sflag:s4] =	dma.local [hbm:s3], $0xF7A  }
0x26: {  	[smem:$0x3F83] =	sst s1;
	(tag) =	ssettag s2;
	_ =	strace s9  }
0x27: {  	s1 =	sld [smem:$0x3F93]  }
0x28: {  	s2 =	sld [smem:$0x3F94]  }
0x29: {  	s4 =	sld [smem:$0x3F96]  }
0x2a: {  	p0 =	seq.s32 s5, $0x0;
	s5 =	sld [smem:$0x3F97]  }
0x2b: {  	s6 =	sld [smem:$0x3F98]  }
0x2c: {  	s7 =	sld [smem:$0x3F99]  }
0x2d: {  	s3 =	simm.s32 $0x108;
	s8 =	sld [smem:$0x3F9A]  }
0x2e: {  	s3 =	simm.s32 @!p0 $0x1082;
	s9 =	sld [smem:$0x3F9B]  }
0x2f: {  	lr =	sadd.s32 s0, s3;
	s0 =	sld [smem:$0x3F92]  }
0x30: {  	s3 =	sld [smem:$0x3F95]  }
0x31: {  	[smem:$0x3F9E] =	sst s10  }
0x32: {  	s10 =	sld [smem:$0x3F9C];
	_ =	sdelay $0x3  }
0x33: {  	p0 =	seq.s32 s10, $0x1;
	s10 =	sld [smem:$0x3F9E];
	_ =	sdelay $0x3  }
0x34: {  	[smem:$0x3F9E] =	sst s10  }
0x35: {  	s10 =	sld [smem:$0x3F9D];
	_ =	sdelay $0x3  }
0x36: {  	p1 =	seq.s32 s10, $0x1;
	s10 =	sld [smem:$0x3F9E];
	_ =	sdelay $0x3  }
0x37: {  	[smem:$0x3F9E] =	sst s10  }
0x38: {  	s10 =	sld [smem:$0x3F9F]  }
0x39: {  	_ = 	snop;
	(pc) =	sbr.ind lr, $3  }
0x3a: {  	_ = 	snop  }
0x3b: {  	_ = 	snop  }
0x3c: {  	p2 =	seq.s32 s10, $0x1;
	s10 =	sld [smem:$0x3F9E]  }
0x3d: {  	_ =	shalt  }
0x3e: {  	_ =	shalt  }
0x3f: {  	_ =	shalt  }
0x40: {  	_ =	shalt  }
0x41: {  	_ =	shalt  }
0x42: {  	_ =	shalt  }
0x43: {  	_ =	shalt  }
0x44: {  	_ =	shalt  }
0x45: {  	_ =	shalt  }
0x46: {  	_ =	shalt  }
0x47: {  	_ =	shalt  }
0x48: {  	_ =	shalt  }
0x49: {  	_ =	shalt  }
0x4a: {  	_ =	shalt  }
0x4b: {  	_ =	shalt  }
0x4c: {  	_ =	shalt  }
0x4d: {  	_ =	shalt  }
0x4e: {  	_ =	shalt  }
0x4f: {  	_ =	shalt  }
0x50: {  	_ =	shalt  }
0x51: {  	_ =	shalt  }
0x52: {  	_ =	shalt  }
0x53: {  	_ =	shalt  }
0x54: {  	_ =	shalt  }
0x55: {  	_ =	shalt  }
0x56: {  	_ =	shalt  }
0x57: {  	_ =	shalt  }
0x58: {  	_ =	shalt  }
0x59: {  	_ =	shalt  }
0x5a: {  	_ =	shalt  }
0x5b: {  	_ =	shalt  }
0x5c: {  	_ =	shalt  }
0x5d: {  	_ =	shalt  }
0x5e: {  	_ =	shalt  }
0x5f: {  	_ =	shalt  }
0x60: {  	_ =	shalt  }
0x61: {  	_ =	shalt  }
0x62: {  	_ =	shalt  }
0x63: {  	_ =	shalt  }
0x64: {  	_ =	shalt  }
0x65: {  	_ =	shalt  }
0x66: {  	_ =	shalt  }
0x67: {  	_ =	shalt  }
0x68: {  	_ =	shalt  }
0x69: {  	_ =	shalt  }
0x6a: {  	_ =	shalt  }
0x6b: {  	_ =	shalt  }
0x6c: {  	_ =	shalt  }
0x6d: {  	_ =	shalt  }
0x6e: {  	_ =	shalt  }
0x6f: {  	_ =	shalt  }
0x70: {  	_ =	shalt  }
0x71: {  	_ =	shalt  }
0x72: {  	_ =	shalt  }
0x73: {  	_ =	shalt  }
0x74: {  	_ =	shalt  }
0x75: {  	_ =	shalt  }
0x76: {  	_ =	shalt  }
0x77: {  	_ =	shalt  }
0x78: {  	_ =	shalt  }
0x79: {  	_ =	shalt  }
0x7a: {  	_ =	shalt  }
0x7b: {  	_ =	shalt  }
0x7c: {  	_ =	shalt  }
0x7d: {  	_ =	shalt  }
0x7e: {  	_ =	shalt  }
0x7f: {  	_ =	shalt  }
0x80: {  	_ =	shalt  }
0x81: {  	_ =	shalt  }
0x82: {  	_ =	shalt  }
0x83: {  	_ =	shalt  }
0x84: {  	_ =	shalt  }
0x85: {  	_ =	shalt  }
0x86: {  	_ =	shalt  }
0x87: {  	_ =	shalt  }
.Lfunc_end0:
.L_simem_size_0:
called_computation_lowered:
.L_overlay_start_0:
0x88: {  	s2 =	sld [smem:$0x3FD9]  }
0x89: {  	s3 =	sld [smem:$0x3FFE];
	_ =	sdelay $0x1  }
0x8a: {  	s1 =	srdreg.scid  }
0x8b: {  	s0 =	sand.u32 $0x1, s1  }
0x8c: {  	s16 =	sshll.u32 s0, $0xA;
	s2 =	sadd.s32 s3, s2  }
0x8d: {  	s2 =	sadd.s32 s2, s16  }
0x8e: {  	[smem:$0x3FAA] =	sst s2  }
0x8f: {  	_ = 	snop  }
0x90: {  	(tm) =	ssettm $0x1  }
0x91: {  	s17 =	sld [smem:$0x3FFB];
	_ =	sdelay $0x3  }
0x92: {  	_ =	strace s17  }
0x93: {  	s2 =	sld [smem:$0x3FFC];
	_ =	sdelay $0x3  }
0x94: {  	_ =	strace s2  }
0x95: {  	s2 =	sld [smem:$0x3FFD];
	_ =	sdelay $0x3  }
0x96: {  	_ =	strace s2  }
0x97: {  	_ =	strace $0x8FFFFFFF  }
0x98: {  	s18 =	sld [smem:$0x3FDB];
	_ =	sdelay $0x1  }
0x99: {  	s19 =	simm.s32 $_scs_section_size  }
0x9a: {  	s4 =	simm.s32 $_size__tile_overlayer_lowered;
	s5 =	simm.s32 $_tile_overlayer_lowered  }
0x9b: {  	s22 =	simm.s32 $0x1BFF;
	s21 =	sshll.u32 s5, $0x1;
	s2 =	sadd.s32 s19, s18  }
0x9c: {  	s6 =	simm.s32 $0x0;
	s20 =	sshll.u32 s4, $0x1;
	s4 =	sadd.s32 s21, s2  }
0x9d: {  	[timem:s6], [sflag:s22] =	dma.local [hbm:s4], s20  }
0x9e: {  	_ =	swait.ge [sflag:s22], s20  }
0x9f: {  	s3 =	ssub.s32 $0x0, s20;
	[sflag:s22] =	ssyncset.done $0x0  }
0xa0: {  	[sflag:s22] =	ssyncadd.s32 s3;
	_ =	sdelay $0x1  }
0xa1: {  	s23 =	simm.s32 $0x1B8B  }
0xa2: {  	_ =	swait.ge [sflag:s23], $0x1  }
0xa3: {  	[sflag:s23] =	ssyncset.done $0x0  }
0xa4: {  	s25 =	simm.s32 $0x1B8E;
	s24 =	sld [smem:$0x3FFE];
	[sflag:s23] =	ssyncadd.s32 $0xFFFFFFFF  }
0xa5: {  	s26 =	simm.s32 $execute0_lowered;
	[smem:$0x3FD2] =	sst s25  }
0xa6: {  	s4 =	sshll.u32 s26, $0x1;
	_ =	strace $0x80000046;
	[dreg:$0x1] =	wrdreg $0xFFFFFFFF  }
0xa7: {  	s28 =	simm.s32 $_size_execute0_lowered;
	s2 =	sadd.s32 s2, s4;
	[dreg:$0x0] =	wrdreg $0x0  }
0xa8: {  	s4 =	sshll.u32 s28, $0x1;
	[dreg:$0x2] =	wrdreg s2  }
0xa9: {  	[dreg:$0x3] =	wrdreg s4  }
0xaa: {  	[dreg:$0x4] =	wrdreg $0xC0  }
0xab: {  	_ =	task [dreg:s6], $0x5FFFF  }
0xac: {  	[dreg:$0x1] =	wrdreg $0xFFFFFFFF  }
0xad: {  	[dreg:$0x0] =	wrdreg $0x60  }
0xae: {  	[dreg:$0x2] =	wrdreg s24  }
0xaf: {  	[dreg:$0x3] =	wrdreg $0x0  }
0xb0: {  	[dreg:$0x4] =	wrdreg $0x9  }
0xb1: {  	_ =	task.clear_ibuf [dreg:s6], $0x5FFFF;
	_ =	strace $0x90000046  }
0xb2: {  	s29 =	simm.s32 $0x9;
	_ =	strace $0x80000048  }
0xb3: {  	_ =	swait.ge [sflag:s29], $0x1  }
0xb4: {  	[sflag:s29] =	ssyncadd.s32 $0xFFFFFFFF  }
0xb5: {  	_ =	strace $0x90000048  }
0xb6: {  	_ =	sfence  }
0xb7: {  	s30 =	sld [smem:$0x0];
	_ =	sdelay $0x2  }
0xb8: {  	s31 =	sshll.u32 s1, $0xD;
	s1 =	sshrl.u32 s1, $0x2  }
0xb9: {  	s3 =	sand.u32 $0x4000, s31;
	s1 =	sadd.s32 s1, s30  }
0xba: {  	s0 =	sor.u32 s3, s0;
	s1 =	sshll.u32 s1, $0x11  }
0xbb: {  	s0 =	sor.u32 s1, s0  }
0xbc: {  	s0 =	sadd.s32 $0x8F2B, s0  }
0xbd: {  	[sflag:s0] =	ssyncadd.remote.s32 $0x1  }
0xbe: {  	_ =	sfence.sel $0xFFFF  }
0xbf: {  	[dreg:$0x0] =	wrdreg $0xFFFFFFFF;
	(pc) =	sbr.abs _section_cstart, $3  }
0xc0: {  	[dreg:$0x1] =	wrdreg $0xFFFFFFFF  }
0xc1: {  	_ =	task.clear_ibuf [dreg:s6], $0x2FFFF;
	_ =	strace $0x9FFFFFFF  }
0xc2: {  	(tm) =	ssettm $0x7FFFFFFF  }
0xc3: {  	_ =	shalt  }
tec
execute0_lowered:
.L_overlay_start_1:
0x0: {  	(tag) =	ssettag $0x1  }
0x1: {  	s5 =	rddreg [dreg:$0x0]  }
0x2: {  	s2 =	rddreg [dreg:$0x1]  }
0x3: {  	s0 =	srdreg.scid;
	s1 =	rddreg [dreg:$0x2];
	s3 =	simm.s32 $0x0  }
0x4: {  	s13 =	simm.s32 $0x14000;
	s14 =	simm.s32 $0x14080;
	s6 =	sand.u32 $0x1, s0  }
0x5: {  	s15 =	simm.s32 $0x50;
	s0 =	stileid.u32;
	s4 =	smul.u32 $0x27100, s6  }
0x6: {  	s16 =	simm.s32 $0x14100;
	s17 =	simm.s32 $0x1;
	s7 =	smul.u32 $0x2710, s0  }
0x7: {  	s18 =	simm.s32 $0x0;
	[smem:$0x7FF] =	sst s3;
	s25 =	smul.u32 $0x2800, s0  }
0x8: {  	s9 =	smul.u32 $0x28000, s6;
	_ =	strace $0x80000047;
	s6 =	ssub.s32 $0x2, s6  }
0x9: {  	s28 =	smul.u32 $0x50000, s0;
	s31 =	sshll.u32 s0, $0x6;
	s29 =	sshrl.u32 s6, $0x1  }
0xa: {  	s4 =	sadd.s32 s7, s4;
	s26 =	sadd.s32 s25, s9;
	s7 =	sadd.s32 s25, s5  }
0xb: {  	s11 =	ssub.s32 s6, s29;
	s30 =	sshrl.u32 s28, $0x2;
	s6 =	sor.u32 $0x1C02, s31  }
0xc: {  	s8 =	sshrl.u32 s4, $0x3;
	s4 =	sadd.s32 $0x14600, s5;
	s12 =	sadd.s32 s30, s2  }
0xd: {  	s10 =	sadd.s32 s8, s5;
	s8 =	sadd.s32 s26, s5;
	s5 =	sadd.s32 $0x3C600, s7  }
0xe: {  	s7 =	sadd.s32 $0x64600, s8;
	s8 =	smax.u32 s11, $0x1;
	s9 =	sadd.s32 $0xA00, s10  }
0xf: {  	s10 =	sadd.s32 $0xA800, s10;
	s11 =	sshrl.u32 s12, $0x3;
	s12 =	simm.s32 $0x2  }
.LBB2_1:
0x10: {  	[spmem:s11], [sflag:s6] =	dma.local [hbm:s5], $0x2800  }
0x11: {  	_ =	swait.ge [sflag:s12], $0x2800  }
0x12: {  	[sflag:s12] =	ssyncset.done $0x0  }
0x13: {  	[sflag:s12] =	ssyncadd.s32 $0xFFFFD800  }
0x14: {  	s19 =	sadd.s32 $0x0, s10;
	[bflag:$0x0] =	sbarrier.arrive $0xFFFF  }
0x15: {  	[tilespmem:s13], [sflag:$0x2] =	stream.linear.gather [hbm4b:s19+s3], $0x50, $0x38;
	[tilespmem:$0x16900] =	vst v63  }
0x16: {  	_ =	swait.ge [sflag:s12], $0x50  }
0x17: {  	[sflag:s12] =	ssyncset.done $0x0  }
0x18: {  	s31 =	sadd.s32 $0x0, s9;
	[sflag:s12] =	ssyncadd.s32 $0xFFFFFFB0  }
0x19: {  	[tilespmem:s14], [sflag:$0x2] =	stream.linear.gather [hbm4b:s31+s3], $0x50, $0x38;
	[tilespmem:$0x16900] =	vst v63  }
0x1a: {  	_ =	swait.ge [sflag:s12], $0x50  }
0x1b: {  	[sflag:s12] =	ssyncset.done $0x0  }
0x1c: {  	[sflag:s12] =	ssyncadd.s32 $0xFFFFFFB0  }
0x1d: {  	[tilespmem:s16], [sflag:$0x1] =	stream.indirect.gather [hbm4b:s4+s15], $0x80, s13, s15, $0xb8;
	[tilespmem:$0x16900] =	vst v63  }
0x1e: {  	_ =	swait.ge [sflag:s17], $0x2800  }
0x1f: {  	[sflag:s17] =	ssyncset.done $0x0  }
0x20: {  	[sflag:s17] =	ssyncadd.s32 $0xFFFFD800  }
0x21: {  	[spmem:s2] =	stream.indirect.scatter.add.f32 [tilespmem:s16], [sflag:$0x2], $0x80, s14, s15, $0xb8;
	[tilespmem:$0x16900] =	vst v63  }
0x22: {  	_ =	swait.ge [sflag:s12], $0x2800  }
0x23: {  	s20 =	simm.s32 $0x14;
	s19 =	simm.s32 $0xA;
	[sflag:s12] =	ssyncset.done $0x0  }
.LBB2_2:
0x24: {  	s21 =	sadd.s32 s19, s10  }
0x25: {  	[sflag:s12] =	ssyncadd.s32 $0xFFFFD800;
	s22 =	smov.u32 s20;
	s23 =	sadd.s32 $0xA, s20  }
0x26: {  	[tilespmem:s13], [sflag:$0x2] =	stream.linear.gather [hbm4b:s21+s3], $0x50, $0x38;
	[tilespmem:$0x16900] =	vst v63  }
0x27: {  	p0 =	sne.s32 s20, $0x4D8;
	_ =	swait.ge [sflag:s12], $0x50  }
0x28: {  	[sflag:s12] =	ssyncset.done $0x0  }
0x29: {  	s20 =	sadd.s32 s19, s9;
	s19 =	smov.u32 s22;
	[sflag:s12] =	ssyncadd.s32 $0xFFFFFFB0  }
0x2a: {  	[tilespmem:s14], [sflag:$0x2] =	stream.linear.gather [hbm4b:s20+s3], $0x50, $0x38;
	[tilespmem:$0x16900] =	vst v63  }
0x2b: {  	_ =	swait.ge [sflag:s12], $0x50  }
0x2c: {  	[sflag:s12] =	ssyncset.done $0x0  }
0x2d: {  	[sflag:s12] =	ssyncadd.s32 $0xFFFFFFB0  }
0x2e: {  	[tilespmem:s16], [sflag:$0x1] =	stream.indirect.gather [hbm4b:s4+s15], $0x80, s13, s15, $0xb8;
	[tilespmem:$0x16900] =	vst v63  }
0x2f: {  	_ =	swait.ge [sflag:s17], $0x2800  }
.Ltmp0:
0x30: {  	[sflag:s17] =	ssyncset.done $0x0;
	(pc) =	sbr.rel @p0 .LBB2_2-.Ltmp0, $4  }
0x31: {  	[sflag:s17] =	ssyncadd.s32 $0xFFFFD800  }
0x32: {  	[spmem:s2] =	stream.indirect.scatter.add.f32 [tilespmem:s16], [sflag:$0x2], $0x80, s14, s15, $0xb8;
	[tilespmem:$0x16900] =	vst v63  }
0x33: {  	_ =	swait.ge [sflag:s12], $0x2800  }
0x34: {  	s20 =	smov.u32 s23;
	[sflag:s12] =	ssyncset.done $0x0  }
0x35: {  	s20 =	sadd.s32 s19, s10;
	[sflag:s12] =	ssyncadd.s32 $0xFFFFD800  }
0x36: {  	[tilespmem:s13], [sflag:$0x2] =	stream.linear.gather [hbm4b:s20+s3], $0x50, $0x38;
	[tilespmem:$0x16900] =	vst v63  }
0x37: {  	_ =	swait.ge [sflag:s12], $0x50  }
0x38: {  	[sflag:s12] =	ssyncset.done $0x0  }
0x39: {  	s31 =	sadd.s32 s19, s9;
	[sflag:s12] =	ssyncadd.s32 $0xFFFFFFB0  }
0x3a: {  	[tilespmem:s14], [sflag:$0x2] =	stream.linear.gather [hbm4b:s31+s3], $0x50, $0x38;
	[tilespmem:$0x16900] =	vst v63  }
0x3b: {  	_ =	swait.ge [sflag:s12], $0x50  }
0x3c: {  	[sflag:s12] =	ssyncset.done $0x0  }
0x3d: {  	[sflag:s12] =	ssyncadd.s32 $0xFFFFFFB0  }
0x3e: {  	[tilespmem:s16], [sflag:$0x1] =	stream.indirect.gather [hbm4b:s4+s15], $0x80, s13, s15, $0xb8;
	[tilespmem:$0x16900] =	vst v63  }
0x3f: {  	_ =	swait.ge [sflag:s17], $0x2800  }
0x40: {  	[sflag:s17] =	ssyncset.done $0x0  }
0x41: {  	[sflag:s17] =	ssyncadd.s32 $0xFFFFD800  }
0x42: {  	[spmem:s2] =	stream.indirect.scatter.add.f32 [tilespmem:s16], [sflag:$0x2], $0x80, s14, s15, $0xb8;
	[tilespmem:$0x16900] =	vst v63  }
0x43: {  	_ =	swait.ge [sflag:s12], $0x2800  }
0x44: {  	s18 =	sadd.s32 $0x1, s18;
	[sflag:s12] =	ssyncset.done $0x0  }
0x45: {  	p0 =	sne.s32 s18, s8;
	[sflag:s12] =	ssyncadd.s32 $0xFFFFD800  }
.Ltmp1:
0x46: {  	[bflag:$0x0] =	sbarrier.arrive $0xFFFF;
	(pc) =	sbr.rel @p0 .LBB2_1-.Ltmp1, $4  }
0x47: {  	[hbm:s7], [sflag:s6] =	dma.local [spmem:s11], $0x2800  }
0x48: {  	_ =	swait.ge [sflag:s12], $0x2800  }
0x49: {  	[sflag:s12] =	ssyncset.done $0x0  }
0x4a: {  	[sflag:s12] =	ssyncadd.s32 $0xFFFFD800  }
0x4b: {  	_ =	sfence.sel $0x180000  }
0x4c: {  	[bflag:$0x0] =	sbarrier.arrive $0xFFFF  }
0x4d: {  	p0 =	sne.s32 s0, $0x0;
	_ =	strace $0x90000047  }
0x4e: {  	s0 =	sadd.s32 @!p0 $0x100000, s1;
	[bflag:$0x2] =	sbarrier.arrive $0xFFFF  }
0x4f: {  	[sflag:s0] =	ssyncadd.tile.s32 @!p0 $0x1;
	_ =	shalt  }
.Lfunc_end2:
_tile_overlayer_lowered:
.L_overlay_start_2:
0x50: {  	(tag) =	ssettag $0x2  }
0x51: {  	s0 =	rddreg [dreg:$0x0];
	s2 =	stileid.u32  }
0x52: {  	s1 =	rddreg [dreg:$0x1];
	p0 =	sne.s32 s2, $0x0  }
0x53: {  	s3 =	rddreg [dreg:$0x2];
	[bflag:$0x3] =	sbarrier.arrive $0xFFFF;
	s2 =	simm.s32 @!p0 $0x1C02  }
0x54: {  	[timem:s3], [sflag:s2] =	dma.local @!p0 [hbm:s0], s1  }
0x55: {  	s0 =	simm.s32 @!p0 $0x2  }
0x56: {  	_ =	swait.ge @!p0 [sflag:s0], s1  }
0x57: {  	s1 =	ssub.s32 @!p0 $0x0, s1;
	[sflag:s0] =	ssyncset.done @!p0 $0x0  }
0x58: {  	[sflag:s0] =	ssyncadd.s32 @!p0 s1  }
0x59: {  	[bflag:$0x3] =	sbarrier.arrive $0xFFFF  }
0x5a: {  	_ =	shalt  }

</sc_bundles>
